<compile_context>
chip_gen: v7x
topology: tpu7x:2x2x1
jax: 0.10.2.dev20260603
libtpu: 0.0.44.dev20260713+nightly
codegen_flags: <defaults>
</compile_context>

<pallas_src>
import functools

import jax
import jax.numpy as jnp
import numpy as np
from jax import lax
from jax.experimental import pallas as pl
from jax.experimental.pallas import tpu as pltpu
from jax.experimental.pallas import tpu_sc as plsc

B = 32
N = 1_000_000
K = 100_000

_K1 = np.uint32(928981903)
_K2 = np.uint32(3453687069)


NT = 8192
CT = 128
NCHUNK = NT // CT
VPC = CT * 8
NBLK = 4096


def _find_from_top(hist_v, thresh):
    big = jnp.int32(1 << 30)

    def cond(state):
        blk, done, carry, bucket, above = state
        return jnp.logical_and(jnp.logical_not(done), blk >= 0)

    def body(state):
        blk, done, carry, bucket, above = state
        v = hist_v[pl.ds(blk * 16, 16)]
        vr = lax.rev(v, (0,))
        cum = plsc.cumsum(vr) + carry
        mask = cum >= thresh
        found = jnp.any(mask)
        mmin = jnp.min(jnp.where(mask, cum, big))
        isf = jnp.logical_and(jnp.logical_and(mask, cum == mmin), vr > 0)
        lane = jnp.sum(jnp.where(isf, lax.iota(jnp.int32, 16), 0))
        vfirst = jnp.sum(jnp.where(isf, vr, 0))
        bkt = blk * 16 + (15 - lane)
        abv = mmin - vfirst
        newly = jnp.logical_and(found, jnp.logical_not(done))
        bucket = jnp.where(newly, bkt, bucket)
        above = jnp.where(newly, abv, above)
        done = jnp.logical_or(done, found)
        carry = jnp.max(cum)
        return blk - 1, done, bucket, above, carry

    def body_wrap(state):
        blk, done, carry, bucket, above = state
        nblk, ndone, nbucket, nabove, ncarry = body(state)
        return (nblk, ndone, ncarry, nbucket, nabove)

    init = (jnp.int32(NBLK - 1), jnp.bool_(False), jnp.int32(0),
            jnp.int32(0), jnp.int32(0))
    _, _, _, bucket, above = lax.while_loop(cond, body_wrap, init)
    return bucket, above


def _zero_hist(hist_v):
    def zbody(i, _):
        hist_v[pl.ds(i * 16, 16)] = jnp.zeros((16,), jnp.int32)
        return 0
    lax.fori_loop(0, NBLK, zbody, 0)


CW = 65_536


def _linearize_body(l_ref, out_ref):
    j = pl.program_id(1)
    x = l_ref[...]
    bi = lax.bitcast_convert_type(x, jnp.int32)
    m = lax.shift_right_arithmetic(bi, 31)
    s = lax.bitwise_xor(bi, lax.bitwise_and(m, jnp.int32(0x7FFFFFFF)))
    sb = lax.bitwise_xor(s, jnp.int32(-2147483648))
    col = j * CW + lax.broadcasted_iota(jnp.int32, (8, CW), 1)
    sb = jnp.where(col < N, sb, 0)
    out_ref[...] = sb.reshape(8, CW // 128, 128)


def _linearize(logits):
    return pl.pallas_call(
        _linearize_body,
        grid=(B // 8, NT * 128 // CW),
        in_specs=[pl.BlockSpec((8, CW), lambda g, j: (g, j))],
        out_specs=pl.BlockSpec((8, CW // 128, 128), lambda g, j: (g, j, 0)),
        out_shape=jax.ShapeDtypeStruct((B, NT, 128), jnp.int32),
    )(logits)


def _sc_kth_body(logits_hbm, kth_hbm, hist_v, buf0_v, buf1_v, out_v,
                 sem0, sem1):
    cid = lax.axis_index("c")
    sid = lax.axis_index("s")
    row = sid * 2 + cid

    def src(c):
        return logits_hbm.at[row, pl.ds(c * CT, CT), :]

    def stream_pass(vec_body):
        pltpu.async_copy(src(0), buf0_v, sem0)

        def chunk_pair(i, _):
            c0 = 2 * i
            pltpu.async_copy(src(c0 + 1), buf1_v, sem1)
            pltpu.make_async_copy(src(c0), buf0_v, sem0).wait()

            @plsc.parallel_loop(0, VPC, unroll=8)
            def _(j):
                vec_body(buf0_v, j)

            @pl.when(c0 + 2 < NCHUNK)
            def _():
                pltpu.async_copy(src(c0 + 2), buf0_v, sem0)
            pltpu.make_async_copy(src(c0 + 1), buf1_v, sem1).wait()

            @plsc.parallel_loop(0, VPC, unroll=8)
            def _(j):
                vec_body(buf1_v, j)
            return 0
        lax.fori_loop(0, NCHUNK // 2, chunk_pair, 0)

    _zero_hist(hist_v)

    def vec_a(buf, j):
        t = lax.shift_right_logical(j, 3)
        lo16 = lax.bitwise_and(j, 7) * 16
        sb = buf[t, pl.ds(lo16, 16)]
        hi = lax.shift_right_logical(sb, 16)
        cnt, last = plsc.scan_count(hi)
        plsc.addupdate_scatter(hist_v, [hi], cnt, mask=last)
    stream_pass(vec_a)

    bucket_hi, above_hi = _find_from_top(hist_v, jnp.int32(K))

    _zero_hist(hist_v)

    def vec_b(buf, j):
        t = lax.shift_right_logical(j, 3)
        lo16 = lax.bitwise_and(j, 7) * 16
        sb = buf[t, pl.ds(lo16, 16)]
        hi = lax.shift_right_logical(sb, 16)
        lo = lax.bitwise_and(sb, jnp.int32(0xFFFF))
        elig = hi == bucket_hi
        cnt, last = plsc.scan_count(lo, mask=elig)
        plsc.addupdate_scatter(hist_v, [lo], cnt, mask=last)
    stream_pass(vec_b)

    bucket_lo, _ = _find_from_top(hist_v, jnp.int32(K) - above_hi)

    s_kth = lax.bitwise_or(
        lax.shift_left(bucket_hi - jnp.int32(32768), jnp.int32(16)), bucket_lo)
    sv = jnp.full((16,), s_kth, jnp.int32)
    m = lax.shift_right_arithmetic(sv, 31)
    bits = lax.bitwise_xor(sv, lax.bitwise_and(m, jnp.int32(0x7FFFFFFF)))
    kf = lax.bitcast_convert_type(bits, jnp.float32)
    for l in range(8):
        out_v[0, pl.ds(l * 16, 16)] = kf
    pltpu.sync_copy(out_v, kth_hbm.at[row])


@functools.lru_cache(maxsize=1)
def _sc_kth():
    return functools.partial(
        pl.kernel,
        out_type=jax.ShapeDtypeStruct((B, 8, 128), jnp.float32),
        mesh=plsc.VectorSubcoreMesh(core_axis_name="c", subcore_axis_name="s"),
        compiler_params=pltpu.CompilerParams(needs_layout_passes=False),
        scratch_types=[
            pltpu.VMEM((65536,), jnp.int32),
            pltpu.VMEM((CT, 128), jnp.int32),
            pltpu.VMEM((CT, 128), jnp.int32),
            pltpu.VMEM((8, 128), jnp.float32),
            pltpu.SemaphoreType.DMA,
            pltpu.SemaphoreType.DMA,
        ],
    )(_sc_kth_body)



BC = 4096
GC = (N + BC - 1) // BC


def _threefry_bits(n_u32):
    ks0 = _K1
    ks1 = _K2
    ks2 = np.uint32(_K1 ^ _K2 ^ np.uint32(0x1BD11BDA))
    ks = (ks0, ks1, ks2)
    rots = ((13, 15, 26, 6), (17, 29, 16, 24))
    x0 = jnp.full_like(n_u32, ks0)
    x1 = n_u32 + ks1
    for i in range(5):
        for r in rots[i % 2]:
            x0 = x0 + x1
            x1 = lax.bitwise_xor(
                lax.bitwise_or(
                    lax.shift_left(x1, np.uint32(r)),
                    lax.shift_right_logical(x1, np.uint32(32 - r))),
                x0)
        x0 = x0 + ks[(i + 1) % 3]
        x1 = x1 + ks[(i + 2) % 3] + np.uint32(i + 1)
    return lax.bitwise_xor(x0, x1)


def _tc_gumbel_body(l_ref, v_ref):
    step = pl.program_id(0)
    l = l_ref[...]
    col = step * BC + lax.broadcasted_iota(jnp.int32, (B, BC), 1)
    rowid = lax.broadcasted_iota(jnp.int32, (B, BC), 0)
    n = (rowid * N + col).astype(jnp.uint32)

    bits = _threefry_bits(n)
    fb = lax.bitwise_or(lax.shift_right_logical(bits, np.uint32(9)),
                        np.uint32(0x3F800000))
    u = lax.bitcast_convert_type(fb, jnp.float32) - np.float32(1.0)
    u = jnp.maximum(u, np.float32(np.finfo(np.float32).tiny))
    g = -jnp.log(-jnp.log(u))
    v_ref[...] = l + g


def _tc_gumbel(logits):
    return pl.pallas_call(
        _tc_gumbel_body,
        grid=(GC,),
        in_specs=[pl.BlockSpec((B, BC), lambda i: (0, i))],
        out_specs=pl.BlockSpec((B, BC), lambda i: (0, i)),
        out_shape=jax.ShapeDtypeStruct((B, GC * BC), jnp.float32),
    )(logits)


BA = 16384
GA = (N + BA - 1) // BA


def _tc_argmax_body(l_ref, v_ref, kth_ref, out_ref, mx_s, ix_s):
    step = pl.program_id(0)

    @pl.when(step == 0)
    def _():
        mx_s[...] = jnp.full((B, 1), -jnp.inf, jnp.float32)
        ix_s[...] = jnp.full((B, 1), 1 << 30, jnp.int32)

    l = l_ref[...]
    v = v_ref[...]
    kth = kth_ref[...]
    col = step * BA + lax.broadcasted_iota(jnp.int32, (B, BA), 1)

    valid = jnp.logical_and(l >= kth, col < N)
    v = jnp.where(valid, v, -jnp.inf)

    m = jnp.max(v, axis=1, keepdims=True)
    idx = jnp.min(jnp.where(v == m, col, 1 << 30), axis=1, keepdims=True)

    cur = mx_s[...]
    curi = ix_s[...]
    better = m > cur
    tie = m == cur
    mx_s[...] = jnp.maximum(cur, m)
    ix_s[...] = jnp.where(better, idx,
                          jnp.where(tie, jnp.minimum(curi, idx), curi))

    @pl.when(step == GA - 1)
    def _():
        out_ref[...] = ix_s[...]


def _tc_argmax(logits, v, kth):
    return pl.pallas_call(
        _tc_argmax_body,
        grid=(GA,),
        in_specs=[
            pl.BlockSpec((B, BA), lambda i: (0, i)),
            pl.BlockSpec((B, BA), lambda i: (0, i)),
            pl.BlockSpec((B, 1), lambda i: (0, 0)),
        ],
        out_specs=pl.BlockSpec((B, 1), lambda i: (0, 0)),
        out_shape=jax.ShapeDtypeStruct((B, 1), jnp.int32),
        scratch_shapes=[
            pltpu.VMEM((B, 1), jnp.float32),
            pltpu.VMEM((B, 1), jnp.int32),
        ],
    )(logits, v, kth)


def kernel(logits):
    lin = _linearize(logits)
    kth_o = _sc_kth()(lin)
    v = _tc_gumbel(logits)
    kth = kth_o[:, 0, :1]
    return _tc_argmax(logits, v, kth)

# --- scband reference (transcript-rebuilt; emitter-appended) ---
"""Pipeline reference for scband-music-autoregressive-wrapper-43301860278547 (READ-ONLY COPY).

The authoritative reference and input builder live on the scoring server;
editing this copy changes nothing except your own understanding.
"""

import jax, jax.numpy as jnp
import numpy as np

THRESHOLD = 0.9
TEMPERATURE = 1.0

def setup_inputs(seed: int = 0) -> dict:
    key = jax.random.key(seed)
    logits = jax.random.normal(key, (32, 1000000), dtype=jnp.float32)
    return {"logits": logits}

def _top_k_filter(logits, frac_num_tokens):
    # faithful to x-transformers style top_k: keep top k = (1 - thres) * num_tokens logits,
    # set the rest to -inf
    num_tokens = logits.shape[-1]
    k = max(int((1.0 - frac_num_tokens) * num_tokens), 1)
    top_vals, _ = jax.lax.top_k(logits, k)
    kth = top_vals[..., -1:]
    return jnp.where(logits < kth, -jnp.inf, logits)

def reference(logits):
    # sample(logits, kind='top_k', threshold=0.9, temperature=1.0, ...)
    filtered = _top_k_filter(logits, THRESHOLD)
    probs = jax.nn.softmax(filtered / TEMPERATURE, axis=-1)
    # torch.multinomial(probs, num_samples=1) -> categorical sample per row
    sample_key = jax.random.fold_in(jax.random.key(0), 1)
    samples = jax.random.categorical(sample_key, jnp.log(probs + 1e-20), axis=-1)
    return samples[:, None]

if __name__ == "__main__":
    import jax
    _d = setup_inputs()
    print(jax.jit(kernel)(*tuple(_d.values())))

</pallas_src>

<mosaic_0001>
#map = affine_map<(d0, d1) -> (0, 0, 0)>
module attributes {stable_mosaic.version = 14 : i64} {
  func.func @_sc_kth_body(%arg0: i32, %arg1: i32, %arg2: memref<32x8192x128xi32, #tpu.memory_space<hbm>>, %arg3: memref<32x8x128xf32, #tpu.memory_space<hbm>>, %arg4: memref<65536xi32, #tpu.memory_space<vmem>>, %arg5: memref<128x128xi32, #tpu.memory_space<vmem>>, %arg6: memref<128x128xi32, #tpu.memory_space<vmem>>, %arg7: memref<8x128xf32, #tpu.memory_space<vmem>>, %arg8: memref<!tpu.dma_semaphore, #tpu.memory_space<semaphore_mem>>, %arg9: memref<!tpu.dma_semaphore, #tpu.memory_space<semaphore_mem>>) attributes {dimension_semantics = [#tpu.dimension_semantics<core_parallel>, #tpu.dimension_semantics<subcore_parallel>], iteration_bounds = array<i64: 2, 16>, scalar_prefetch = 0 : i64, scratch_operands = 6 : i64, tpu.core_type = #tpu.core_type<sc_vector_subcore>, window_params = [{transform_indices = #map}, {transform_indices = #map}]} {
    %mul3A = arith.constant 2 : i32
    %mul3A_0 = arith.muli %arg1, %mul3A : i32
    %add3A = arith.addi %mul3A_0, %arg0 : i32
    %scan3A = arith.constant 0 : i32
    %scan3A_1 = arith.constant 0 : i32
    %scan3A_2 = arith.constant 4096 : i32
    %scan3A_3 = arith.addi %scan3A_1, %scan3A_2 : i32
    %scan3A_4 = arith.constant 1 : i32
    %scan3A_5 = scf.for %scan3A_96 = %scan3A_1 to %scan3A_3 step %scan3A_4 iter_args(%scan3A_97 = %scan3A) -> (i32)  : i32 {
      %broadcast_in_dim3A_98 = arith.constant 0 : i32
      %broadcast_in_dim3A_99 = vector.broadcast %broadcast_in_dim3A_98 : i32 to vector<16xi32>
      %mul3A_100 = arith.constant 16 : i32
      %mul3A_101 = arith.muli %scan3A_96, %mul3A_100 : i32
      %swap3A_102 = arith.index_cast %mul3A_101 : i32 to index
      %swap3A_103 = tpu.vector_load %arg4[%swap3A_102] {strides = array<i32>} : memref<65536xi32, #tpu.memory_space<vmem>>, vector<16xi32>,
      tpu.vector_store %arg4[%swap3A_102], %broadcast_in_dim3A_99 {strides = array<i32>} : memref<65536xi32, #tpu.memory_space<vmem>>, vector<16xi32>,
      %scan3A_104 = arith.constant 0 : i32
      scf.yield %scan3A_104 : i32
    }
    %scan3A_6 = arith.constant 4096 : i32
    %dma_start3A = arith.constant 0 : i32
    %dma_start3A_7 = arith.constant 0 : i32
    %dma_start3A_8 = tpu.memref_slice %arg2[%add3A, %dma_start3A, %dma_start3A_7] : memref<32x8192x128xi32, #tpu.memory_space<hbm>> -> memref<1x128x128xi32, #tpu.memory_space<hbm>>
    %dma_start3A_9 = tpu.memref_squeeze %dma_start3A_8 : memref<1x128x128xi32, #tpu.memory_space<hbm>> -> memref<128x128xi32, #tpu.memory_space<hbm>>
    %dma_start3A_10 = arith.constant 0 : i32
    %dma_start3A_11 = arith.constant 0 : i32
    %dma_start3A_12 = tpu.memref_slice %arg2[%add3A, %dma_start3A_10, %dma_start3A_11] : memref<32x8192x128xi32, #tpu.memory_space<hbm>> -> memref<1x128x128xi32, #tpu.memory_space<hbm>>
    %dma_start3A_13 = tpu.memref_squeeze %dma_start3A_12 : memref<1x128x128xi32, #tpu.memory_space<hbm>> -> memref<128x128xi32, #tpu.memory_space<hbm>>
    tpu.enqueue_dma source(%dma_start3A_13 : memref<128x128xi32, #tpu.memory_space<hbm>>) target(%arg5 : memref<128x128xi32, #tpu.memory_space<vmem>>) target_semaphore(%arg8 : memref<!tpu.dma_semaphore, #tpu.memory_space<semaphore_mem>>)
    %scan3A_14 = arith.constant 0 : i32
    %scan3A_15 = arith.constant 0 : i32
    %scan3A_16 = arith.constant 32 : i32
    %scan3A_17 = arith.addi %scan3A_15, %scan3A_16 : i32
    %scan3A_18 = arith.constant 1 : i32
    %scan3A_19 = scf.for %scan3A_96 = %scan3A_15 to %scan3A_17 step %scan3A_18 iter_args(%scan3A_97 = %scan3A_14) -> (i32)  : i32 {
      %mul3A_98 = arith.constant 2 : i32
      %mul3A_99 = arith.muli %mul3A_98, %scan3A_96 : i32
      %add3A_100 = arith.constant 1 : i32
      %add3A_101 = arith.addi %mul3A_99, %add3A_100 : i32
      %mul3A_102 = arith.constant 128 : i32
      %mul3A_103 = arith.muli %add3A_101, %mul3A_102 : i32
      %dma_start3A_104 = arith.constant 0 : i32
      %dma_start3A_105 = tpu.memref_slice %arg2[%add3A, %mul3A_103, %dma_start3A_104] : memref<32x8192x128xi32, #tpu.memory_space<hbm>> -> memref<1x128x128xi32, #tpu.memory_space<hbm>>
      %dma_start3A_106 = tpu.memref_squeeze %dma_start3A_105 : memref<1x128x128xi32, #tpu.memory_space<hbm>> -> memref<128x128xi32, #tpu.memory_space<hbm>>
      %dma_start3A_107 = arith.constant 0 : i32
      %dma_start3A_108 = tpu.memref_slice %arg2[%add3A, %mul3A_103, %dma_start3A_107] : memref<32x8192x128xi32, #tpu.memory_space<hbm>> -> memref<1x128x128xi32, #tpu.memory_space<hbm>>
      %dma_start3A_109 = tpu.memref_squeeze %dma_start3A_108 : memref<1x128x128xi32, #tpu.memory_space<hbm>> -> memref<128x128xi32, #tpu.memory_space<hbm>>
      tpu.enqueue_dma source(%dma_start3A_109 : memref<128x128xi32, #tpu.memory_space<hbm>>) target(%arg6 : memref<128x128xi32, #tpu.memory_space<vmem>>) target_semaphore(%arg9 : memref<!tpu.dma_semaphore, #tpu.memory_space<semaphore_mem>>)
      %mul3A_110 = arith.constant 128 : i32
      %mul3A_111 = arith.muli %mul3A_99, %mul3A_110 : i32
      %dma_wait3A = arith.constant 0 : i32
      %dma_wait3A_112 = tpu.memref_slice %arg2[%add3A, %mul3A_111, %dma_wait3A] : memref<32x8192x128xi32, #tpu.memory_space<hbm>> -> memref<1x128x128xi32, #tpu.memory_space<hbm>>
      %dma_wait3A_113 = tpu.memref_squeeze %dma_wait3A_112 : memref<1x128x128xi32, #tpu.memory_space<hbm>> -> memref<128x128xi32, #tpu.memory_space<hbm>>
      %dma_wait3A_114 = arith.constant 0 : i32
      %dma_wait3A_115 = tpu.memref_slice %arg2[%add3A, %mul3A_111, %dma_wait3A_114] : memref<32x8192x128xi32, #tpu.memory_space<hbm>> -> memref<1x128x128xi32, #tpu.memory_space<hbm>>
      %dma_wait3A_116 = tpu.memref_squeeze %dma_wait3A_115 : memref<1x128x128xi32, #tpu.memory_space<hbm>> -> memref<128x128xi32, #tpu.memory_space<hbm>>
      tpu.wait_dma2 semaphore(%arg8 : memref<!tpu.dma_semaphore, #tpu.memory_space<semaphore_mem>>) src(%dma_wait3A_116 : memref<128x128xi32, #tpu.memory_space<hbm>>) dst(%arg5 : memref<128x128xi32, #tpu.memory_space<vmem>>)
      %parallel_loop3A = arith.constant 0 : i32
      %parallel_loop3A_117 = arith.constant 1024 : i32
      %parallel_loop3A_118 = arith.constant 1 : i32
      scf.for %parallel_loop3A_137 = %parallel_loop3A to %parallel_loop3A_117 step %parallel_loop3A_118  : i32 {
        %parallel_loop3A_138 = arith.constant 3 : i32
        %parallel_loop3A_139 = arith.shrui %parallel_loop3A_137, %parallel_loop3A_138 : i32
        %parallel_loop3A_140 = arith.constant 7 : i32
        %parallel_loop3A_141 = arith.andi %parallel_loop3A_137, %parallel_loop3A_140 : i32
        %parallel_loop3A_142 = arith.constant 16 : i32
        %parallel_loop3A_143 = arith.muli %parallel_loop3A_141, %parallel_loop3A_142 : i32
        %parallel_loop3A_144 = arith.index_cast %parallel_loop3A_139 : i32 to index
        %parallel_loop3A_145 = arith.index_cast %parallel_loop3A_143 : i32 to index
        %parallel_loop3A_146 = tpu.vector_load %arg5[%parallel_loop3A_144, %parallel_loop3A_145] {strides = array<i32>} : memref<128x128xi32, #tpu.memory_space<vmem>>, vector<16xi32>,
        %parallel_loop3A_147 = arith.constant 16 : i32
        %parallel_loop3A_148 = vector.broadcast %parallel_loop3A_147 : i32 to vector<16xi32>
        %parallel_loop3A_149 = arith.shrui %parallel_loop3A_146, %parallel_loop3A_148 : vector<16xi32>
        %parallel_loop3A_150 = arith.constant true
        %parallel_loop3A_151 = vector.broadcast %parallel_loop3A_150 : i1 to vector<16xi1>
        %parallel_loop3A_152, %parallel_loop3A_153 = tpu.scan_count mask(%parallel_loop3A_151 : vector<16xi1>) value(%parallel_loop3A_149 : vector<16xi32>) : vector<16xi1>, vector<16xi32>
        tpu.vector_store_idx %arg4[%parallel_loop3A_149], %parallel_loop3A_153 masked %parallel_loop3A_152 {add = true} : memref<65536xi32, #tpu.memory_space<vmem>>[vector<16xi32>], vector<16xi32>, vector<16xi1>
      } {sc.loop_unroll_factor = 8 : i64, sc.parallel_access}
      %add3A_119 = arith.constant 2 : i32
      %add3A_120 = arith.addi %mul3A_99, %add3A_119 : i32
      %lt3A = arith.constant 64 : i32
      %lt3A_121 = arith.cmpi slt, %add3A_120, %lt3A : i32
      %convert_element_type3A = arith.extui %lt3A_121 : i1 to i32
      %cond3A = arith.constant 0 : i32
      %cond3A_122 = arith.cmpi ne, %convert_element_type3A, %cond3A : i32
      scf.if %cond3A_122 {
        %add3A_137 = arith.constant 2 : i32
        %add3A_138 = arith.addi %mul3A_99, %add3A_137 : i32
        %mul3A_139 = arith.constant 128 : i32
        %mul3A_140 = arith.muli %add3A_138, %mul3A_139 : i32
        %dma_start3A_141 = arith.constant 0 : i32
        %dma_start3A_142 = tpu.memref_slice %arg2[%add3A, %mul3A_140, %dma_start3A_141] : memref<32x8192x128xi32, #tpu.memory_space<hbm>> -> memref<1x128x128xi32, #tpu.memory_space<hbm>>
        %dma_start3A_143 = tpu.memref_squeeze %dma_start3A_142 : memref<1x128x128xi32, #tpu.memory_space<hbm>> -> memref<128x128xi32, #tpu.memory_space<hbm>>
        %dma_start3A_144 = arith.constant 0 : i32
        %dma_start3A_145 = tpu.memref_slice %arg2[%add3A, %mul3A_140, %dma_start3A_144] : memref<32x8192x128xi32, #tpu.memory_space<hbm>> -> memref<1x128x128xi32, #tpu.memory_space<hbm>>
        %dma_start3A_146 = tpu.memref_squeeze %dma_start3A_145 : memref<1x128x128xi32, #tpu.memory_space<hbm>> -> memref<128x128xi32, #tpu.memory_space<hbm>>
        tpu.enqueue_dma source(%dma_start3A_146 : memref<128x128xi32, #tpu.memory_space<hbm>>) target(%arg5 : memref<128x128xi32, #tpu.memory_space<vmem>>) target_semaphore(%arg8 : memref<!tpu.dma_semaphore, #tpu.memory_space<semaphore_mem>>)
      } else {
      }
      %add3A_123 = arith.constant 1 : i32
      %add3A_124 = arith.addi %mul3A_99, %add3A_123 : i32
      %mul3A_125 = arith.constant 128 : i32
      %mul3A_126 = arith.muli %add3A_124, %mul3A_125 : i32
      %dma_wait3A_127 = arith.constant 0 : i32
      %dma_wait3A_128 = tpu.memref_slice %arg2[%add3A, %mul3A_126, %dma_wait3A_127] : memref<32x8192x128xi32, #tpu.memory_space<hbm>> -> memref<1x128x128xi32, #tpu.memory_space<hbm>>
      %dma_wait3A_129 = tpu.memref_squeeze %dma_wait3A_128 : memref<1x128x128xi32, #tpu.memory_space<hbm>> -> memref<128x128xi32, #tpu.memory_space<hbm>>
      %dma_wait3A_130 = arith.constant 0 : i32
      %dma_wait3A_131 = tpu.memref_slice %arg2[%add3A, %mul3A_126, %dma_wait3A_130] : memref<32x8192x128xi32, #tpu.memory_space<hbm>> -> memref<1x128x128xi32, #tpu.memory_space<hbm>>
      %dma_wait3A_132 = tpu.memref_squeeze %dma_wait3A_131 : memref<1x128x128xi32, #tpu.memory_space<hbm>> -> memref<128x128xi32, #tpu.memory_space<hbm>>
      tpu.wait_dma2 semaphore(%arg9 : memref<!tpu.dma_semaphore, #tpu.memory_space<semaphore_mem>>) src(%dma_wait3A_132 : memref<128x128xi32, #tpu.memory_space<hbm>>) dst(%arg6 : memref<128x128xi32, #tpu.memory_space<vmem>>)
      %parallel_loop3A_133 = arith.constant 0 : i32
      %parallel_loop3A_134 = arith.constant 1024 : i32
      %parallel_loop3A_135 = arith.constant 1 : i32
      scf.for %parallel_loop3A_137 = %parallel_loop3A_133 to %parallel_loop3A_134 step %parallel_loop3A_135  : i32 {
        %parallel_loop3A_138 = arith.constant 3 : i32
        %parallel_loop3A_139 = arith.shrui %parallel_loop3A_137, %parallel_loop3A_138 : i32
        %parallel_loop3A_140 = arith.constant 7 : i32
        %parallel_loop3A_141 = arith.andi %parallel_loop3A_137, %parallel_loop3A_140 : i32
        %parallel_loop3A_142 = arith.constant 16 : i32
        %parallel_loop3A_143 = arith.muli %parallel_loop3A_141, %parallel_loop3A_142 : i32
        %parallel_loop3A_144 = arith.index_cast %parallel_loop3A_139 : i32 to index
        %parallel_loop3A_145 = arith.index_cast %parallel_loop3A_143 : i32 to index
        %parallel_loop3A_146 = tpu.vector_load %arg6[%parallel_loop3A_144, %parallel_loop3A_145] {strides = array<i32>} : memref<128x128xi32, #tpu.memory_space<vmem>>, vector<16xi32>,
        %parallel_loop3A_147 = arith.constant 16 : i32
        %parallel_loop3A_148 = vector.broadcast %parallel_loop3A_147 : i32 to vector<16xi32>
        %parallel_loop3A_149 = arith.shrui %parallel_loop3A_146, %parallel_loop3A_148 : vector<16xi32>
        %parallel_loop3A_150 = arith.constant true
        %parallel_loop3A_151 = vector.broadcast %parallel_loop3A_150 : i1 to vector<16xi1>
        %parallel_loop3A_152, %parallel_loop3A_153 = tpu.scan_count mask(%parallel_loop3A_151 : vector<16xi1>) value(%parallel_loop3A_149 : vector<16xi32>) : vector<16xi1>, vector<16xi32>
        tpu.vector_store_idx %arg4[%parallel_loop3A_149], %parallel_loop3A_153 masked %parallel_loop3A_152 {add = true} : memref<65536xi32, #tpu.memory_space<vmem>>[vector<16xi32>], vector<16xi32>, vector<16xi1>
      } {sc.loop_unroll_factor = 8 : i64, sc.parallel_access}
      %scan3A_136 = arith.constant 0 : i32
      scf.yield %scan3A_136 : i32
    }
    %scan3A_20 = arith.constant 32 : i32
    %while3A = arith.constant 100000 : i32
    %while3A_21 = arith.constant 1073741824 : i32
    %while3A_22 = arith.constant 4095 : i32
    %while3A_23 = arith.constant false
    %while3A_24 = arith.constant 0 : i32
    %while3A_25 = arith.constant 0 : i32
    %while3A_26 = arith.constant 0 : i32
    %while3A_27:5 = scf.while (%while3A_96 = %while3A_22, %while3A_97 = %while3A_23, %while3A_98 = %while3A_24, %while3A_99 = %while3A_25, %while3A_100 = %while3A_26) : (i32, i1, i32, i32, i32) -> (i32, i1, i32, i32, i32) {
      %not3A = arith.constant true
      %not3A_101 = arith.xori %while3A_97, %not3A : i1
      %ge3A = arith.constant 0 : i32
      %ge3A_102 = arith.cmpi sge, %while3A_96, %ge3A : i32
      %and3A_103 = arith.andi %not3A_101, %ge3A_102 : i1
      scf.condition(%and3A_103) %while3A_96, %while3A_97, %while3A_98, %while3A_99, %while3A_100 : i32, i1, i32, i32, i32
    } do {
    ^bb0(%while3A_96: i32, %while3A_97: i1, %while3A_98: i32, %while3A_99: i32, %while3A_100: i32):
      %mul3A_101 = arith.constant 16 : i32
      %mul3A_102 = arith.muli %while3A_96, %mul3A_101 : i32
      %get3A = arith.index_cast %mul3A_102 : i32 to index
      %get3A_103 = tpu.vector_load %arg4[%get3A] {strides = array<i32>} : memref<65536xi32, #tpu.memory_space<vmem>>, vector<16xi32>,
      %rev3A = arith.constant 15 : i32
      %rev3A_104 = vector.broadcast %rev3A : i32 to vector<16xi32>
      %rev3A_105 = tpu.iota {dimensions = array<i32: 0>} : vector<16xi32>
      %rev3A_106 = arith.subi %rev3A_104, %rev3A_105 : vector<16xi32>
      %rev3A_107 = tpu.dynamic_gather %get3A_103[%rev3A_106] in [0] : vector<16xi32>, vector<16xi32> -> vector<16xi32>
      %broadcast_in_dim3A_108 = arith.constant true
      %broadcast_in_dim3A_109 = vector.broadcast %broadcast_in_dim3A_108 : i1 to vector<16xi1>
      %masked_cumsum3A = tpu.scan <sum>, %rev3A_107 masked %broadcast_in_dim3A_109 : vector<16xi32>, vector<16xi1> -> vector<16xi32>
      %add3A_110 = vector.broadcast %while3A_98 : i32 to vector<16xi32>
      %add3A_111 = arith.addi %masked_cumsum3A, %add3A_110 : vector<16xi32>
      %ge3A = vector.broadcast %while3A : i32 to vector<16xi32>
      %ge3A_112 = arith.cmpi sge, %add3A_111, %ge3A : vector<16xi32>
      %reduce_or3A = arith.constant 1.000000e+00 : f32
      %reduce_or3A_113 = arith.constant 0.000000e+00 : f32
      %reduce_or3A_114 = vector.broadcast %reduce_or3A : f32 to vector<16xf32>
      %reduce_or3A_115 = vector.broadcast %reduce_or3A_113 : f32 to vector<16xf32>
      %reduce_or3A_116 = arith.select %ge3A_112, %reduce_or3A_114, %reduce_or3A_115 : vector<16xi1>, vector<16xf32>
      %reduce_or3A_117 = arith.constant true
      %reduce_or3A_118 = vector.broadcast %reduce_or3A_117 : i1 to vector<16xi1>
      %reduce_or3A_119 = tpu.scan <max>, %reduce_or3A_116 masked %reduce_or3A_118 : vector<16xf32>, vector<16xi1> -> vector<16xf32>
      %reduce_or3A_120 = vector.extract %reduce_or3A_119[15] : f32 from vector<16xf32>
      %reduce_or3A_121 = arith.constant 0.000000e+00 : f32
      %reduce_or3A_122 = arith.cmpf ogt, %reduce_or3A_120, %reduce_or3A_121 : f32
      %broadcast_in_dim3A_123 = vector.broadcast %while3A_21 : i32 to vector<16xi32>
      %select_n3A = arith.select %ge3A_112, %add3A_111, %broadcast_in_dim3A_123 : vector<16xi1>, vector<16xi32>
      %reduce_min3A = arith.constant true
      %reduce_min3A_124 = vector.broadcast %reduce_min3A : i1 to vector<16xi1>
      %reduce_min3A_125 = arith.constant -2147483648 : i32
      %reduce_min3A_126 = vector.broadcast %reduce_min3A_125 : i32 to vector<16xi32>
      %reduce_min3A_127 = arith.xori %select_n3A, %reduce_min3A_126 : vector<16xi32>
      %reduce_min3A_128 = tpu.scan <min>, %reduce_min3A_127 masked %reduce_min3A_124 : vector<16xi32>, vector<16xi1> -> vector<16xi32>
      %reduce_min3A_129 = arith.xori %reduce_min3A_128, %reduce_min3A_126 : vector<16xi32>
      %reduce_min3A_130 = vector.extract %reduce_min3A_129[15] : i32 from vector<16xi32>
      %eq3A = vector.broadcast %reduce_min3A_130 : i32 to vector<16xi32>
      %eq3A_131 = arith.cmpi eq, %add3A_111, %eq3A : vector<16xi32>
      %and3A_132 = arith.andi %ge3A_112, %eq3A_131 : vector<16xi1>
      %gt3A = arith.constant 0 : i32
      %gt3A_133 = vector.broadcast %gt3A : i32 to vector<16xi32>
      %gt3A_134 = arith.cmpi sgt, %rev3A_107, %gt3A_133 : vector<16xi32>
      %and3A_135 = arith.andi %and3A_132, %gt3A_134 : vector<16xi1>
      %iota3A = tpu.iota {dimensions = array<i32: 0>} : vector<16xi32>
      %jit3A = arith.constant 0 : i32
      %broadcast_in_dim3A_136 = vector.broadcast %jit3A : i32 to vector<16xi32>
      %select_n3A_137 = arith.select %and3A_135, %iota3A, %broadcast_in_dim3A_136 : vector<16xi1>, vector<16xi32>
      %reduce_sum3A = arith.constant true
      %reduce_sum3A_138 = vector.broadcast %reduce_sum3A : i1 to vector<16xi1>
      %reduce_sum3A_139 = tpu.scan <sum>, %select_n3A_137 masked %reduce_sum3A_138 : vector<16xi32>, vector<16xi1> -> vector<16xi32>
      %reduce_sum3A_140 = vector.extract %reduce_sum3A_139[15] : i32 from vector<16xi32>
      %jit3A_141 = arith.constant 0 : i32
      %broadcast_in_dim3A_142 = vector.broadcast %jit3A_141 : i32 to vector<16xi32>
      %select_n3A_143 = arith.select %and3A_135, %rev3A_107, %broadcast_in_dim3A_142 : vector<16xi1>, vector<16xi32>
      %reduce_sum3A_144 = arith.constant true
      %reduce_sum3A_145 = vector.broadcast %reduce_sum3A_144 : i1 to vector<16xi1>
      %reduce_sum3A_146 = tpu.scan <sum>, %select_n3A_143 masked %reduce_sum3A_145 : vector<16xi32>, vector<16xi1> -> vector<16xi32>
      %reduce_sum3A_147 = vector.extract %reduce_sum3A_146[15] : i32 from vector<16xi32>
      %mul3A_148 = arith.constant 16 : i32
      %mul3A_149 = arith.muli %while3A_96, %mul3A_148 : i32
      %sub3A_150 = arith.constant 15 : i32
      %sub3A_151 = arith.subi %sub3A_150, %reduce_sum3A_140 : i32
      %add3A_152 = arith.addi %mul3A_149, %sub3A_151 : i32
      %sub3A_153 = arith.subi %reduce_min3A_130, %reduce_sum3A_147 : i32
      %not3A = arith.constant true
      %not3A_154 = arith.xori %while3A_97, %not3A : i1
      %and3A_155 = arith.andi %reduce_or3A_122, %not3A_154 : i1
      %select_n3A_156 = arith.select %and3A_155, %add3A_152, %while3A_99 : i32
      %select_n3A_157 = arith.select %and3A_155, %sub3A_153, %while3A_100 : i32
      %or3A_158 = arith.ori %while3A_97, %reduce_or3A_122 : i1
      %reduce_max3A = arith.constant true
      %reduce_max3A_159 = vector.broadcast %reduce_max3A : i1 to vector<16xi1>
      %reduce_max3A_160 = arith.constant -2147483648 : i32
      %reduce_max3A_161 = vector.broadcast %reduce_max3A_160 : i32 to vector<16xi32>
      %reduce_max3A_162 = arith.xori %add3A_111, %reduce_max3A_161 : vector<16xi32>
      %reduce_max3A_163 = tpu.scan <max>, %reduce_max3A_162 masked %reduce_max3A_159 : vector<16xi32>, vector<16xi1> -> vector<16xi32>
      %reduce_max3A_164 = arith.xori %reduce_max3A_163, %reduce_max3A_161 : vector<16xi32>
      %reduce_max3A_165 = vector.extract %reduce_max3A_164[15] : i32 from vector<16xi32>
      %sub3A_166 = arith.constant 1 : i32
      %sub3A_167 = arith.subi %while3A_96, %sub3A_166 : i32
      scf.yield %sub3A_167, %or3A_158, %reduce_max3A_165, %select_n3A_156, %select_n3A_157 : i32, i1, i32, i32, i32
    }
    %scan3A_28 = arith.constant 0 : i32
    %scan3A_29 = arith.constant 0 : i32
    %scan3A_30 = arith.constant 4096 : i32
    %scan3A_31 = arith.addi %scan3A_29, %scan3A_30 : i32
    %scan3A_32 = arith.constant 1 : i32
    %scan3A_33 = scf.for %scan3A_96 = %scan3A_29 to %scan3A_31 step %scan3A_32 iter_args(%scan3A_97 = %scan3A_28) -> (i32)  : i32 {
      %broadcast_in_dim3A_98 = arith.constant 0 : i32
      %broadcast_in_dim3A_99 = vector.broadcast %broadcast_in_dim3A_98 : i32 to vector<16xi32>
      %mul3A_100 = arith.constant 16 : i32
      %mul3A_101 = arith.muli %scan3A_96, %mul3A_100 : i32
      %swap3A_102 = arith.index_cast %mul3A_101 : i32 to index
      %swap3A_103 = tpu.vector_load %arg4[%swap3A_102] {strides = array<i32>} : memref<65536xi32, #tpu.memory_space<vmem>>, vector<16xi32>,
      tpu.vector_store %arg4[%swap3A_102], %broadcast_in_dim3A_99 {strides = array<i32>} : memref<65536xi32, #tpu.memory_space<vmem>>, vector<16xi32>,
      %scan3A_104 = arith.constant 0 : i32
      scf.yield %scan3A_104 : i32
    }
    %scan3A_34 = arith.constant 4096 : i32
    %dma_start3A_35 = arith.constant 0 : i32
    %dma_start3A_36 = arith.constant 0 : i32
    %dma_start3A_37 = tpu.memref_slice %arg2[%add3A, %dma_start3A_35, %dma_start3A_36] : memref<32x8192x128xi32, #tpu.memory_space<hbm>> -> memref<1x128x128xi32, #tpu.memory_space<hbm>>
    %dma_start3A_38 = tpu.memref_squeeze %dma_start3A_37 : memref<1x128x128xi32, #tpu.memory_space<hbm>> -> memref<128x128xi32, #tpu.memory_space<hbm>>
    %dma_start3A_39 = arith.constant 0 : i32
    %dma_start3A_40 = arith.constant 0 : i32
    %dma_start3A_41 = tpu.memref_slice %arg2[%add3A, %dma_start3A_39, %dma_start3A_40] : memref<32x8192x128xi32, #tpu.memory_space<hbm>> -> memref<1x128x128xi32, #tpu.memory_space<hbm>>
    %dma_start3A_42 = tpu.memref_squeeze %dma_start3A_41 : memref<1x128x128xi32, #tpu.memory_space<hbm>> -> memref<128x128xi32, #tpu.memory_space<hbm>>
    tpu.enqueue_dma source(%dma_start3A_42 : memref<128x128xi32, #tpu.memory_space<hbm>>) target(%arg5 : memref<128x128xi32, #tpu.memory_space<vmem>>) target_semaphore(%arg8 : memref<!tpu.dma_semaphore, #tpu.memory_space<semaphore_mem>>)
    %scan3A_43 = arith.constant 0 : i32
    %scan3A_44 = arith.constant 0 : i32
    %scan3A_45 = arith.constant 32 : i32
    %scan3A_46 = arith.addi %scan3A_44, %scan3A_45 : i32
    %scan3A_47 = arith.constant 1 : i32
    %scan3A_48 = scf.for %scan3A_96 = %scan3A_44 to %scan3A_46 step %scan3A_47 iter_args(%scan3A_97 = %scan3A_43) -> (i32)  : i32 {
      %mul3A_98 = arith.constant 2 : i32
      %mul3A_99 = arith.muli %mul3A_98, %scan3A_96 : i32
      %add3A_100 = arith.constant 1 : i32
      %add3A_101 = arith.addi %mul3A_99, %add3A_100 : i32
      %mul3A_102 = arith.constant 128 : i32
      %mul3A_103 = arith.muli %add3A_101, %mul3A_102 : i32
      %dma_start3A_104 = arith.constant 0 : i32
      %dma_start3A_105 = tpu.memref_slice %arg2[%add3A, %mul3A_103, %dma_start3A_104] : memref<32x8192x128xi32, #tpu.memory_space<hbm>> -> memref<1x128x128xi32, #tpu.memory_space<hbm>>
      %dma_start3A_106 = tpu.memref_squeeze %dma_start3A_105 : memref<1x128x128xi32, #tpu.memory_space<hbm>> -> memref<128x128xi32, #tpu.memory_space<hbm>>
      %dma_start3A_107 = arith.constant 0 : i32
      %dma_start3A_108 = tpu.memref_slice %arg2[%add3A, %mul3A_103, %dma_start3A_107] : memref<32x8192x128xi32, #tpu.memory_space<hbm>> -> memref<1x128x128xi32, #tpu.memory_space<hbm>>
      %dma_start3A_109 = tpu.memref_squeeze %dma_start3A_108 : memref<1x128x128xi32, #tpu.memory_space<hbm>> -> memref<128x128xi32, #tpu.memory_space<hbm>>
      tpu.enqueue_dma source(%dma_start3A_109 : memref<128x128xi32, #tpu.memory_space<hbm>>) target(%arg6 : memref<128x128xi32, #tpu.memory_space<vmem>>) target_semaphore(%arg9 : memref<!tpu.dma_semaphore, #tpu.memory_space<semaphore_mem>>)
      %mul3A_110 = arith.constant 128 : i32
      %mul3A_111 = arith.muli %mul3A_99, %mul3A_110 : i32
      %dma_wait3A = arith.constant 0 : i32
      %dma_wait3A_112 = tpu.memref_slice %arg2[%add3A, %mul3A_111, %dma_wait3A] : memref<32x8192x128xi32, #tpu.memory_space<hbm>> -> memref<1x128x128xi32, #tpu.memory_space<hbm>>
      %dma_wait3A_113 = tpu.memref_squeeze %dma_wait3A_112 : memref<1x128x128xi32, #tpu.memory_space<hbm>> -> memref<128x128xi32, #tpu.memory_space<hbm>>
      %dma_wait3A_114 = arith.constant 0 : i32
      %dma_wait3A_115 = tpu.memref_slice %arg2[%add3A, %mul3A_111, %dma_wait3A_114] : memref<32x8192x128xi32, #tpu.memory_space<hbm>> -> memref<1x128x128xi32, #tpu.memory_space<hbm>>
      %dma_wait3A_116 = tpu.memref_squeeze %dma_wait3A_115 : memref<1x128x128xi32, #tpu.memory_space<hbm>> -> memref<128x128xi32, #tpu.memory_space<hbm>>
      tpu.wait_dma2 semaphore(%arg8 : memref<!tpu.dma_semaphore, #tpu.memory_space<semaphore_mem>>) src(%dma_wait3A_116 : memref<128x128xi32, #tpu.memory_space<hbm>>) dst(%arg5 : memref<128x128xi32, #tpu.memory_space<vmem>>)
      %parallel_loop3A = arith.constant 0 : i32
      %parallel_loop3A_117 = arith.constant 1024 : i32
      %parallel_loop3A_118 = arith.constant 1 : i32
      scf.for %parallel_loop3A_137 = %parallel_loop3A to %parallel_loop3A_117 step %parallel_loop3A_118  : i32 {
        %parallel_loop3A_138 = arith.constant 3 : i32
        %parallel_loop3A_139 = arith.shrui %parallel_loop3A_137, %parallel_loop3A_138 : i32
        %parallel_loop3A_140 = arith.constant 7 : i32
        %parallel_loop3A_141 = arith.andi %parallel_loop3A_137, %parallel_loop3A_140 : i32
        %parallel_loop3A_142 = arith.constant 16 : i32
        %parallel_loop3A_143 = arith.muli %parallel_loop3A_141, %parallel_loop3A_142 : i32
        %parallel_loop3A_144 = arith.index_cast %parallel_loop3A_139 : i32 to index
        %parallel_loop3A_145 = arith.index_cast %parallel_loop3A_143 : i32 to index
        %parallel_loop3A_146 = tpu.vector_load %arg5[%parallel_loop3A_144, %parallel_loop3A_145] {strides = array<i32>} : memref<128x128xi32, #tpu.memory_space<vmem>>, vector<16xi32>,
        %parallel_loop3A_147 = arith.constant 16 : i32
        %parallel_loop3A_148 = vector.broadcast %parallel_loop3A_147 : i32 to vector<16xi32>
        %parallel_loop3A_149 = arith.shrui %parallel_loop3A_146, %parallel_loop3A_148 : vector<16xi32>
        %parallel_loop3A_150 = arith.constant 65535 : i32
        %parallel_loop3A_151 = vector.broadcast %parallel_loop3A_150 : i32 to vector<16xi32>
        %parallel_loop3A_152 = arith.andi %parallel_loop3A_146, %parallel_loop3A_151 : vector<16xi32>
        %parallel_loop3A_153 = vector.broadcast %while3A_27#3 : i32 to vector<16xi32>
        %parallel_loop3A_154 = arith.cmpi eq, %parallel_loop3A_149, %parallel_loop3A_153 : vector<16xi32>
        %parallel_loop3A_155, %parallel_loop3A_156 = tpu.scan_count mask(%parallel_loop3A_154 : vector<16xi1>) value(%parallel_loop3A_152 : vector<16xi32>) : vector<16xi1>, vector<16xi32>
        tpu.vector_store_idx %arg4[%parallel_loop3A_152], %parallel_loop3A_156 masked %parallel_loop3A_155 {add = true} : memref<65536xi32, #tpu.memory_space<vmem>>[vector<16xi32>], vector<16xi32>, vector<16xi1>
      } {sc.loop_unroll_factor = 8 : i64, sc.parallel_access}
      %add3A_119 = arith.constant 2 : i32
      %add3A_120 = arith.addi %mul3A_99, %add3A_119 : i32
      %lt3A = arith.constant 64 : i32
      %lt3A_121 = arith.cmpi slt, %add3A_120, %lt3A : i32
      %convert_element_type3A = arith.extui %lt3A_121 : i1 to i32
      %cond3A = arith.constant 0 : i32
      %cond3A_122 = arith.cmpi ne, %convert_element_type3A, %cond3A : i32
      scf.if %cond3A_122 {
        %add3A_137 = arith.constant 2 : i32
        %add3A_138 = arith.addi %mul3A_99, %add3A_137 : i32
        %mul3A_139 = arith.constant 128 : i32
        %mul3A_140 = arith.muli %add3A_138, %mul3A_139 : i32
        %dma_start3A_141 = arith.constant 0 : i32
        %dma_start3A_142 = tpu.memref_slice %arg2[%add3A, %mul3A_140, %dma_start3A_141] : memref<32x8192x128xi32, #tpu.memory_space<hbm>> -> memref<1x128x128xi32, #tpu.memory_space<hbm>>
        %dma_start3A_143 = tpu.memref_squeeze %dma_start3A_142 : memref<1x128x128xi32, #tpu.memory_space<hbm>> -> memref<128x128xi32, #tpu.memory_space<hbm>>
        %dma_start3A_144 = arith.constant 0 : i32
        %dma_start3A_145 = tpu.memref_slice %arg2[%add3A, %mul3A_140, %dma_start3A_144] : memref<32x8192x128xi32, #tpu.memory_space<hbm>> -> memref<1x128x128xi32, #tpu.memory_space<hbm>>
        %dma_start3A_146 = tpu.memref_squeeze %dma_start3A_145 : memref<1x128x128xi32, #tpu.memory_space<hbm>> -> memref<128x128xi32, #tpu.memory_space<hbm>>
        tpu.enqueue_dma source(%dma_start3A_146 : memref<128x128xi32, #tpu.memory_space<hbm>>) target(%arg5 : memref<128x128xi32, #tpu.memory_space<vmem>>) target_semaphore(%arg8 : memref<!tpu.dma_semaphore, #tpu.memory_space<semaphore_mem>>)
      } else {
      }
      %add3A_123 = arith.constant 1 : i32
      %add3A_124 = arith.addi %mul3A_99, %add3A_123 : i32
      %mul3A_125 = arith.constant 128 : i32
      %mul3A_126 = arith.muli %add3A_124, %mul3A_125 : i32
      %dma_wait3A_127 = arith.constant 0 : i32
      %dma_wait3A_128 = tpu.memref_slice %arg2[%add3A, %mul3A_126, %dma_wait3A_127] : memref<32x8192x128xi32, #tpu.memory_space<hbm>> -> memref<1x128x128xi32, #tpu.memory_space<hbm>>
      %dma_wait3A_129 = tpu.memref_squeeze %dma_wait3A_128 : memref<1x128x128xi32, #tpu.memory_space<hbm>> -> memref<128x128xi32, #tpu.memory_space<hbm>>
      %dma_wait3A_130 = arith.constant 0 : i32
      %dma_wait3A_131 = tpu.memref_slice %arg2[%add3A, %mul3A_126, %dma_wait3A_130] : memref<32x8192x128xi32, #tpu.memory_space<hbm>> -> memref<1x128x128xi32, #tpu.memory_space<hbm>>
      %dma_wait3A_132 = tpu.memref_squeeze %dma_wait3A_131 : memref<1x128x128xi32, #tpu.memory_space<hbm>> -> memref<128x128xi32, #tpu.memory_space<hbm>>
      tpu.wait_dma2 semaphore(%arg9 : memref<!tpu.dma_semaphore, #tpu.memory_space<semaphore_mem>>) src(%dma_wait3A_132 : memref<128x128xi32, #tpu.memory_space<hbm>>) dst(%arg6 : memref<128x128xi32, #tpu.memory_space<vmem>>)
      %parallel_loop3A_133 = arith.constant 0 : i32
      %parallel_loop3A_134 = arith.constant 1024 : i32
      %parallel_loop3A_135 = arith.constant 1 : i32
      scf.for %parallel_loop3A_137 = %parallel_loop3A_133 to %parallel_loop3A_134 step %parallel_loop3A_135  : i32 {
        %parallel_loop3A_138 = arith.constant 3 : i32
        %parallel_loop3A_139 = arith.shrui %parallel_loop3A_137, %parallel_loop3A_138 : i32
        %parallel_loop3A_140 = arith.constant 7 : i32
        %parallel_loop3A_141 = arith.andi %parallel_loop3A_137, %parallel_loop3A_140 : i32
        %parallel_loop3A_142 = arith.constant 16 : i32
        %parallel_loop3A_143 = arith.muli %parallel_loop3A_141, %parallel_loop3A_142 : i32
        %parallel_loop3A_144 = arith.index_cast %parallel_loop3A_139 : i32 to index
        %parallel_loop3A_145 = arith.index_cast %parallel_loop3A_143 : i32 to index
        %parallel_loop3A_146 = tpu.vector_load %arg6[%parallel_loop3A_144, %parallel_loop3A_145] {strides = array<i32>} : memref<128x128xi32, #tpu.memory_space<vmem>>, vector<16xi32>,
        %parallel_loop3A_147 = arith.constant 16 : i32
        %parallel_loop3A_148 = vector.broadcast %parallel_loop3A_147 : i32 to vector<16xi32>
        %parallel_loop3A_149 = arith.shrui %parallel_loop3A_146, %parallel_loop3A_148 : vector<16xi32>
        %parallel_loop3A_150 = arith.constant 65535 : i32
        %parallel_loop3A_151 = vector.broadcast %parallel_loop3A_150 : i32 to vector<16xi32>
        %parallel_loop3A_152 = arith.andi %parallel_loop3A_146, %parallel_loop3A_151 : vector<16xi32>
        %parallel_loop3A_153 = vector.broadcast %while3A_27#3 : i32 to vector<16xi32>
        %parallel_loop3A_154 = arith.cmpi eq, %parallel_loop3A_149, %parallel_loop3A_153 : vector<16xi32>
        %parallel_loop3A_155, %parallel_loop3A_156 = tpu.scan_count mask(%parallel_loop3A_154 : vector<16xi1>) value(%parallel_loop3A_152 : vector<16xi32>) : vector<16xi1>, vector<16xi32>
        tpu.vector_store_idx %arg4[%parallel_loop3A_152], %parallel_loop3A_156 masked %parallel_loop3A_155 {add = true} : memref<65536xi32, #tpu.memory_space<vmem>>[vector<16xi32>], vector<16xi32>, vector<16xi1>
      } {sc.loop_unroll_factor = 8 : i64, sc.parallel_access}
      %scan3A_136 = arith.constant 0 : i32
      scf.yield %scan3A_136 : i32
    }
    %scan3A_49 = arith.constant 32 : i32
    %sub3A = arith.constant 100000 : i32
    %sub3A_50 = arith.subi %sub3A, %while3A_27#4 : i32
    %while3A_51 = arith.constant 1073741824 : i32
    %while3A_52 = arith.constant 4095 : i32
    %while3A_53 = arith.constant false
    %while3A_54 = arith.constant 0 : i32
    %while3A_55 = arith.constant 0 : i32
    %while3A_56 = arith.constant 0 : i32
    %while3A_57:5 = scf.while (%while3A_96 = %while3A_52, %while3A_97 = %while3A_53, %while3A_98 = %while3A_54, %while3A_99 = %while3A_55, %while3A_100 = %while3A_56) : (i32, i1, i32, i32, i32) -> (i32, i1, i32, i32, i32) {
      %not3A = arith.constant true
      %not3A_101 = arith.xori %while3A_97, %not3A : i1
      %ge3A = arith.constant 0 : i32
      %ge3A_102 = arith.cmpi sge, %while3A_96, %ge3A : i32
      %and3A_103 = arith.andi %not3A_101, %ge3A_102 : i1
      scf.condition(%and3A_103) %while3A_96, %while3A_97, %while3A_98, %while3A_99, %while3A_100 : i32, i1, i32, i32, i32
    } do {
    ^bb0(%while3A_96: i32, %while3A_97: i1, %while3A_98: i32, %while3A_99: i32, %while3A_100: i32):
      %mul3A_101 = arith.constant 16 : i32
      %mul3A_102 = arith.muli %while3A_96, %mul3A_101 : i32
      %get3A = arith.index_cast %mul3A_102 : i32 to index
      %get3A_103 = tpu.vector_load %arg4[%get3A] {strides = array<i32>} : memref<65536xi32, #tpu.memory_space<vmem>>, vector<16xi32>,
      %rev3A = arith.constant 15 : i32
      %rev3A_104 = vector.broadcast %rev3A : i32 to vector<16xi32>
      %rev3A_105 = tpu.iota {dimensions = array<i32: 0>} : vector<16xi32>
      %rev3A_106 = arith.subi %rev3A_104, %rev3A_105 : vector<16xi32>
      %rev3A_107 = tpu.dynamic_gather %get3A_103[%rev3A_106] in [0] : vector<16xi32>, vector<16xi32> -> vector<16xi32>
      %broadcast_in_dim3A_108 = arith.constant true
      %broadcast_in_dim3A_109 = vector.broadcast %broadcast_in_dim3A_108 : i1 to vector<16xi1>
      %masked_cumsum3A = tpu.scan <sum>, %rev3A_107 masked %broadcast_in_dim3A_109 : vector<16xi32>, vector<16xi1> -> vector<16xi32>
      %add3A_110 = vector.broadcast %while3A_98 : i32 to vector<16xi32>
      %add3A_111 = arith.addi %masked_cumsum3A, %add3A_110 : vector<16xi32>
      %ge3A = vector.broadcast %sub3A_50 : i32 to vector<16xi32>
      %ge3A_112 = arith.cmpi sge, %add3A_111, %ge3A : vector<16xi32>
      %reduce_or3A = arith.constant 1.000000e+00 : f32
      %reduce_or3A_113 = arith.constant 0.000000e+00 : f32
      %reduce_or3A_114 = vector.broadcast %reduce_or3A : f32 to vector<16xf32>
      %reduce_or3A_115 = vector.broadcast %reduce_or3A_113 : f32 to vector<16xf32>
      %reduce_or3A_116 = arith.select %ge3A_112, %reduce_or3A_114, %reduce_or3A_115 : vector<16xi1>, vector<16xf32>
      %reduce_or3A_117 = arith.constant true
      %reduce_or3A_118 = vector.broadcast %reduce_or3A_117 : i1 to vector<16xi1>
      %reduce_or3A_119 = tpu.scan <max>, %reduce_or3A_116 masked %reduce_or3A_118 : vector<16xf32>, vector<16xi1> -> vector<16xf32>
      %reduce_or3A_120 = vector.extract %reduce_or3A_119[15] : f32 from vector<16xf32>
      %reduce_or3A_121 = arith.constant 0.000000e+00 : f32
      %reduce_or3A_122 = arith.cmpf ogt, %reduce_or3A_120, %reduce_or3A_121 : f32
      %broadcast_in_dim3A_123 = vector.broadcast %while3A_51 : i32 to vector<16xi32>
      %select_n3A = arith.select %ge3A_112, %add3A_111, %broadcast_in_dim3A_123 : vector<16xi1>, vector<16xi32>
      %reduce_min3A = arith.constant true
      %reduce_min3A_124 = vector.broadcast %reduce_min3A : i1 to vector<16xi1>
      %reduce_min3A_125 = arith.constant -2147483648 : i32
      %reduce_min3A_126 = vector.broadcast %reduce_min3A_125 : i32 to vector<16xi32>
      %reduce_min3A_127 = arith.xori %select_n3A, %reduce_min3A_126 : vector<16xi32>
      %reduce_min3A_128 = tpu.scan <min>, %reduce_min3A_127 masked %reduce_min3A_124 : vector<16xi32>, vector<16xi1> -> vector<16xi32>
      %reduce_min3A_129 = arith.xori %reduce_min3A_128, %reduce_min3A_126 : vector<16xi32>
      %reduce_min3A_130 = vector.extract %reduce_min3A_129[15] : i32 from vector<16xi32>
      %eq3A = vector.broadcast %reduce_min3A_130 : i32 to vector<16xi32>
      %eq3A_131 = arith.cmpi eq, %add3A_111, %eq3A : vector<16xi32>
      %and3A_132 = arith.andi %ge3A_112, %eq3A_131 : vector<16xi1>
      %gt3A = arith.constant 0 : i32
      %gt3A_133 = vector.broadcast %gt3A : i32 to vector<16xi32>
      %gt3A_134 = arith.cmpi sgt, %rev3A_107, %gt3A_133 : vector<16xi32>
      %and3A_135 = arith.andi %and3A_132, %gt3A_134 : vector<16xi1>
      %iota3A = tpu.iota {dimensions = array<i32: 0>} : vector<16xi32>
      %jit3A = arith.constant 0 : i32
      %broadcast_in_dim3A_136 = vector.broadcast %jit3A : i32 to vector<16xi32>
      %select_n3A_137 = arith.select %and3A_135, %iota3A, %broadcast_in_dim3A_136 : vector<16xi1>, vector<16xi32>
      %reduce_sum3A = arith.constant true
      %reduce_sum3A_138 = vector.broadcast %reduce_sum3A : i1 to vector<16xi1>
      %reduce_sum3A_139 = tpu.scan <sum>, %select_n3A_137 masked %reduce_sum3A_138 : vector<16xi32>, vector<16xi1> -> vector<16xi32>
      %reduce_sum3A_140 = vector.extract %reduce_sum3A_139[15] : i32 from vector<16xi32>
      %jit3A_141 = arith.constant 0 : i32
      %broadcast_in_dim3A_142 = vector.broadcast %jit3A_141 : i32 to vector<16xi32>
      %select_n3A_143 = arith.select %and3A_135, %rev3A_107, %broadcast_in_dim3A_142 : vector<16xi1>, vector<16xi32>
      %reduce_sum3A_144 = arith.constant true
      %reduce_sum3A_145 = vector.broadcast %reduce_sum3A_144 : i1 to vector<16xi1>
      %reduce_sum3A_146 = tpu.scan <sum>, %select_n3A_143 masked %reduce_sum3A_145 : vector<16xi32>, vector<16xi1> -> vector<16xi32>
      %reduce_sum3A_147 = vector.extract %reduce_sum3A_146[15] : i32 from vector<16xi32>
      %mul3A_148 = arith.constant 16 : i32
      %mul3A_149 = arith.muli %while3A_96, %mul3A_148 : i32
      %sub3A_150 = arith.constant 15 : i32
      %sub3A_151 = arith.subi %sub3A_150, %reduce_sum3A_140 : i32
      %add3A_152 = arith.addi %mul3A_149, %sub3A_151 : i32
      %sub3A_153 = arith.subi %reduce_min3A_130, %reduce_sum3A_147 : i32
      %not3A = arith.constant true
      %not3A_154 = arith.xori %while3A_97, %not3A : i1
      %and3A_155 = arith.andi %reduce_or3A_122, %not3A_154 : i1
      %select_n3A_156 = arith.select %and3A_155, %add3A_152, %while3A_99 : i32
      %select_n3A_157 = arith.select %and3A_155, %sub3A_153, %while3A_100 : i32
      %or3A_158 = arith.ori %while3A_97, %reduce_or3A_122 : i1
      %reduce_max3A = arith.constant true
      %reduce_max3A_159 = vector.broadcast %reduce_max3A : i1 to vector<16xi1>
      %reduce_max3A_160 = arith.constant -2147483648 : i32
      %reduce_max3A_161 = vector.broadcast %reduce_max3A_160 : i32 to vector<16xi32>
      %reduce_max3A_162 = arith.xori %add3A_111, %reduce_max3A_161 : vector<16xi32>
      %reduce_max3A_163 = tpu.scan <max>, %reduce_max3A_162 masked %reduce_max3A_159 : vector<16xi32>, vector<16xi1> -> vector<16xi32>
      %reduce_max3A_164 = arith.xori %reduce_max3A_163, %reduce_max3A_161 : vector<16xi32>
      %reduce_max3A_165 = vector.extract %reduce_max3A_164[15] : i32 from vector<16xi32>
      %sub3A_166 = arith.constant 1 : i32
      %sub3A_167 = arith.subi %while3A_96, %sub3A_166 : i32
      scf.yield %sub3A_167, %or3A_158, %reduce_max3A_165, %select_n3A_156, %select_n3A_157 : i32, i1, i32, i32, i32
    }
    %sub3A_58 = arith.constant 32768 : i32
    %sub3A_59 = arith.subi %while3A_27#3, %sub3A_58 : i32
    %shift_left3A = arith.constant 16 : i32
    %shift_left3A_60 = arith.shli %sub3A_59, %shift_left3A : i32
    %or3A = arith.ori %shift_left3A_60, %while3A_57#3 : i32
    %broadcast_in_dim3A = vector.broadcast %or3A : i32 to vector<16xi32>
    %shift_right_arithmetic3A = arith.constant 31 : i32
    %shift_right_arithmetic3A_61 = vector.broadcast %shift_right_arithmetic3A : i32 to vector<16xi32>
    %shift_right_arithmetic3A_62 = arith.shrsi %broadcast_in_dim3A, %shift_right_arithmetic3A_61 : vector<16xi32>
    %and3A = arith.constant 2147483647 : i32
    %and3A_63 = vector.broadcast %and3A : i32 to vector<16xi32>
    %and3A_64 = arith.andi %shift_right_arithmetic3A_62, %and3A_63 : vector<16xi32>
    %xor3A = arith.xori %broadcast_in_dim3A, %and3A_64 : vector<16xi32>
    %bitcast_convert_type3A = tpu.bitcast %xor3A : vector<16xi32> -> vector<16xf32>
    %swap3A = arith.constant 0 : i32
    %swap3A_65 = arith.index_cast %swap3A : i32 to index
    %swap3A_66 = arith.constant 0 : index
    %swap3A_67 = tpu.vector_load %arg7[%swap3A_65, %swap3A_66] {strides = array<i32>} : memref<8x128xf32, #tpu.memory_space<vmem>>, vector<16xf32>,
    tpu.vector_store %arg7[%swap3A_65, %swap3A_66], %bitcast_convert_type3A {strides = array<i32>} : memref<8x128xf32, #tpu.memory_space<vmem>>, vector<16xf32>,
    %swap3A_68 = arith.constant 0 : i32
    %swap3A_69 = arith.index_cast %swap3A_68 : i32 to index
    %swap3A_70 = arith.constant 16 : index
    %swap3A_71 = tpu.vector_load %arg7[%swap3A_69, %swap3A_70] {strides = array<i32>} : memref<8x128xf32, #tpu.memory_space<vmem>>, vector<16xf32>,
    tpu.vector_store %arg7[%swap3A_69, %swap3A_70], %bitcast_convert_type3A {strides = array<i32>} : memref<8x128xf32, #tpu.memory_space<vmem>>, vector<16xf32>,
    %swap3A_72 = arith.constant 0 : i32
    %swap3A_73 = arith.index_cast %swap3A_72 : i32 to index
    %swap3A_74 = arith.constant 32 : index
    %swap3A_75 = tpu.vector_load %arg7[%swap3A_73, %swap3A_74] {strides = array<i32>} : memref<8x128xf32, #tpu.memory_space<vmem>>, vector<16xf32>,
    tpu.vector_store %arg7[%swap3A_73, %swap3A_74], %bitcast_convert_type3A {strides = array<i32>} : memref<8x128xf32, #tpu.memory_space<vmem>>, vector<16xf32>,
    %swap3A_76 = arith.constant 0 : i32
    %swap3A_77 = arith.index_cast %swap3A_76 : i32 to index
    %swap3A_78 = arith.constant 48 : index
    %swap3A_79 = tpu.vector_load %arg7[%swap3A_77, %swap3A_78] {strides = array<i32>} : memref<8x128xf32, #tpu.memory_space<vmem>>, vector<16xf32>,
    tpu.vector_store %arg7[%swap3A_77, %swap3A_78], %bitcast_convert_type3A {strides = array<i32>} : memref<8x128xf32, #tpu.memory_space<vmem>>, vector<16xf32>,
    %swap3A_80 = arith.constant 0 : i32
    %swap3A_81 = arith.index_cast %swap3A_80 : i32 to index
    %swap3A_82 = arith.constant 64 : index
    %swap3A_83 = tpu.vector_load %arg7[%swap3A_81, %swap3A_82] {strides = array<i32>} : memref<8x128xf32, #tpu.memory_space<vmem>>, vector<16xf32>,
    tpu.vector_store %arg7[%swap3A_81, %swap3A_82], %bitcast_convert_type3A {strides = array<i32>} : memref<8x128xf32, #tpu.memory_space<vmem>>, vector<16xf32>,
    %swap3A_84 = arith.constant 0 : i32
    %swap3A_85 = arith.index_cast %swap3A_84 : i32 to index
    %swap3A_86 = arith.constant 80 : index
    %swap3A_87 = tpu.vector_load %arg7[%swap3A_85, %swap3A_86] {strides = array<i32>} : memref<8x128xf32, #tpu.memory_space<vmem>>, vector<16xf32>,
    tpu.vector_store %arg7[%swap3A_85, %swap3A_86], %bitcast_convert_type3A {strides = array<i32>} : memref<8x128xf32, #tpu.memory_space<vmem>>, vector<16xf32>,
    %swap3A_88 = arith.constant 0 : i32
    %swap3A_89 = arith.index_cast %swap3A_88 : i32 to index
    %swap3A_90 = arith.constant 96 : index
    %swap3A_91 = tpu.vector_load %arg7[%swap3A_89, %swap3A_90] {strides = array<i32>} : memref<8x128xf32, #tpu.memory_space<vmem>>, vector<16xf32>,
    tpu.vector_store %arg7[%swap3A_89, %swap3A_90], %bitcast_convert_type3A {strides = array<i32>} : memref<8x128xf32, #tpu.memory_space<vmem>>, vector<16xf32>,
    %swap3A_92 = arith.constant 0 : i32
    %swap3A_93 = arith.index_cast %swap3A_92 : i32 to index
    %swap3A_94 = arith.constant 112 : index
    %swap3A_95 = tpu.vector_load %arg7[%swap3A_93, %swap3A_94] {strides = array<i32>} : memref<8x128xf32, #tpu.memory_space<vmem>>, vector<16xf32>,
    tpu.vector_store %arg7[%swap3A_93, %swap3A_94], %bitcast_convert_type3A {strides = array<i32>} : memref<8x128xf32, #tpu.memory_space<vmem>>, vector<16xf32>,
    "tpu.region"() ({
      %run_scoped3A = tpu.sem_alloc : memref<!tpu.dma_semaphore, #tpu.memory_space<semaphore_mem>>
      %dma_start3A_96 = arith.constant 0 : i32
      %dma_start3A_97 = arith.constant 0 : i32
      %dma_start3A_98 = tpu.memref_slice %arg3[%add3A, %dma_start3A_96, %dma_start3A_97] : memref<32x8x128xf32, #tpu.memory_space<hbm>> -> memref<1x8x128xf32, #tpu.memory_space<hbm>>
      %dma_start3A_99 = tpu.memref_squeeze %dma_start3A_98 : memref<1x8x128xf32, #tpu.memory_space<hbm>> -> memref<8x128xf32, #tpu.memory_space<hbm>>
      %dma_start3A_100 = arith.constant 0 : i32
      %dma_start3A_101 = arith.constant 0 : i32
      %dma_start3A_102 = tpu.memref_slice %arg3[%add3A, %dma_start3A_100, %dma_start3A_101] : memref<32x8x128xf32, #tpu.memory_space<hbm>> -> memref<1x8x128xf32, #tpu.memory_space<hbm>>
      %dma_start3A_103 = tpu.memref_squeeze %dma_start3A_102 : memref<1x8x128xf32, #tpu.memory_space<hbm>> -> memref<8x128xf32, #tpu.memory_space<hbm>>
      tpu.enqueue_dma source(%arg7 : memref<8x128xf32, #tpu.memory_space<vmem>>) target(%dma_start3A_103 : memref<8x128xf32, #tpu.memory_space<hbm>>) target_semaphore(%run_scoped3A : memref<!tpu.dma_semaphore, #tpu.memory_space<semaphore_mem>>)
      %dma_wait3A = arith.constant 0 : i32
      %dma_wait3A_104 = arith.constant 0 : i32
      %dma_wait3A_105 = tpu.memref_slice %arg3[%add3A, %dma_wait3A, %dma_wait3A_104] : memref<32x8x128xf32, #tpu.memory_space<hbm>> -> memref<1x8x128xf32, #tpu.memory_space<hbm>>
      %dma_wait3A_106 = tpu.memref_squeeze %dma_wait3A_105 : memref<1x8x128xf32, #tpu.memory_space<hbm>> -> memref<8x128xf32, #tpu.memory_space<hbm>>
      %dma_wait3A_107 = arith.constant 0 : i32
      %dma_wait3A_108 = arith.constant 0 : i32
      %dma_wait3A_109 = tpu.memref_slice %arg3[%add3A, %dma_wait3A_107, %dma_wait3A_108] : memref<32x8x128xf32, #tpu.memory_space<hbm>> -> memref<1x8x128xf32, #tpu.memory_space<hbm>>
      %dma_wait3A_110 = tpu.memref_squeeze %dma_wait3A_109 : memref<1x8x128xf32, #tpu.memory_space<hbm>> -> memref<8x128xf32, #tpu.memory_space<hbm>>
      tpu.wait_dma2 semaphore(%run_scoped3A : memref<!tpu.dma_semaphore, #tpu.memory_space<semaphore_mem>>) src(%arg7 : memref<8x128xf32, #tpu.memory_space<vmem>>) dst(%dma_wait3A_110 : memref<8x128xf32, #tpu.memory_space<hbm>>)
      tpu.yield
    }) : () -> ()
    return
  }
}

module attributes {stable_mosaic.version = 14 : i64} {
  func.func @_tc_gumbel_body(%arg0: i32, %arg1: memref<32x4096xf32, #tpu.memory_space<vmem>>, %arg2: memref<32x4096xf32, #tpu.memory_space<vmem>>) attributes {dimension_semantics = [#tpu.dimension_semantics<arbitrary>], iteration_bounds = array<i64: 245>, scalar_prefetch = 0 : i64, scratch_operands = 0 : i64, tpu.core_type = #tpu.core_type<tc>, window_params = [{transform_indices = @transform_0, window_bounds = array<i64: 32, 4096>}, {transform_indices = @transform_1, window_bounds = array<i64: 32, 4096>}]} {
    %get3A = arith.constant 0 : index
    %get3A_0 = arith.constant 0 : index
    %get3A_1 = vector.load %arg1[%get3A, %get3A_0] : memref<32x4096xf32, #tpu.memory_space<vmem>>, vector<32x4096xf32>
    %mul3A = arith.constant 4096 : i32
    %mul3A_2 = arith.muli %arg0, %mul3A : i32
    %iota3A = tpu.iota {dimensions = array<i32: 1>} : vector<32x4096xi32>
    %add3A = vector.broadcast %mul3A_2 : i32 to vector<32x4096xi32>
    %add3A_3 = arith.addi %add3A, %iota3A : vector<32x4096xi32>
    %iota3A_4 = tpu.iota {dimensions = array<i32: 0>} : vector<32x4096xi32>
    %mul3A_5 = arith.constant 1000000 : i32
    %mul3A_6 = vector.broadcast %mul3A_5 : i32 to vector<32x4096xi32>
    %mul3A_7 = arith.muli %iota3A_4, %mul3A_6 : vector<32x4096xi32>
    %add3A_8 = arith.addi %mul3A_7, %add3A_3 : vector<32x4096xi32>
    %broadcast_in_dim3A = arith.constant 928981903 : i32
    %broadcast_in_dim3A_9 = vector.broadcast %broadcast_in_dim3A : i32 to vector<32x4096xi32>
    %add3A_10 = arith.constant -841280227 : i32
    %add3A_11 = vector.broadcast %add3A_10 : i32 to vector<32x4096xi32>
    %add3A_12 = arith.addi %add3A_8, %add3A_11 : vector<32x4096xi32>
    %add3A_13 = arith.addi %broadcast_in_dim3A_9, %add3A_12 : vector<32x4096xi32>
    %shift_left3A = arith.constant 13 : i32
    %shift_left3A_14 = vector.broadcast %shift_left3A : i32 to vector<32x4096xi32>
    %shift_left3A_15 = arith.shli %add3A_12, %shift_left3A_14 : vector<32x4096xi32>
    %shift_right_logical3A = arith.constant 19 : i32
    %shift_right_logical3A_16 = vector.broadcast %shift_right_logical3A : i32 to vector<32x4096xi32>
    %shift_right_logical3A_17 = arith.shrui %add3A_12, %shift_right_logical3A_16 : vector<32x4096xi32>
    %or3A = arith.ori %shift_left3A_15, %shift_right_logical3A_17 : vector<32x4096xi32>
    %xor3A = arith.xori %or3A, %add3A_13 : vector<32x4096xi32>
    %add3A_18 = arith.addi %add3A_13, %xor3A : vector<32x4096xi32>
    %shift_left3A_19 = arith.constant 15 : i32
    %shift_left3A_20 = vector.broadcast %shift_left3A_19 : i32 to vector<32x4096xi32>
    %shift_left3A_21 = arith.shli %xor3A, %shift_left3A_20 : vector<32x4096xi32>
    %shift_right_logical3A_22 = arith.constant 17 : i32
    %shift_right_logical3A_23 = vector.broadcast %shift_right_logical3A_22 : i32 to vector<32x4096xi32>
    %shift_right_logical3A_24 = arith.shrui %xor3A, %shift_right_logical3A_23 : vector<32x4096xi32>
    %or3A_25 = arith.ori %shift_left3A_21, %shift_right_logical3A_24 : vector<32x4096xi32>
    %xor3A_26 = arith.xori %or3A_25, %add3A_18 : vector<32x4096xi32>
    %add3A_27 = arith.addi %add3A_18, %xor3A_26 : vector<32x4096xi32>
    %shift_left3A_28 = arith.constant 26 : i32
    %shift_left3A_29 = vector.broadcast %shift_left3A_28 : i32 to vector<32x4096xi32>
    %shift_left3A_30 = arith.shli %xor3A_26, %shift_left3A_29 : vector<32x4096xi32>
    %shift_right_logical3A_31 = arith.constant 6 : i32
    %shift_right_logical3A_32 = vector.broadcast %shift_right_logical3A_31 : i32 to vector<32x4096xi32>
    %shift_right_logical3A_33 = arith.shrui %xor3A_26, %shift_right_logical3A_32 : vector<32x4096xi32>
    %or3A_34 = arith.ori %shift_left3A_30, %shift_right_logical3A_33 : vector<32x4096xi32>
    %xor3A_35 = arith.xori %or3A_34, %add3A_27 : vector<32x4096xi32>
    %add3A_36 = arith.addi %add3A_27, %xor3A_35 : vector<32x4096xi32>
    %shift_left3A_37 = arith.constant 6 : i32
    %shift_left3A_38 = vector.broadcast %shift_left3A_37 : i32 to vector<32x4096xi32>
    %shift_left3A_39 = arith.shli %xor3A_35, %shift_left3A_38 : vector<32x4096xi32>
    %shift_right_logical3A_40 = arith.constant 26 : i32
    %shift_right_logical3A_41 = vector.broadcast %shift_right_logical3A_40 : i32 to vector<32x4096xi32>
    %shift_right_logical3A_42 = arith.shrui %xor3A_35, %shift_right_logical3A_41 : vector<32x4096xi32>
    %or3A_43 = arith.ori %shift_left3A_39, %shift_right_logical3A_42 : vector<32x4096xi32>
    %xor3A_44 = arith.xori %or3A_43, %add3A_36 : vector<32x4096xi32>
    %add3A_45 = arith.constant -841280227 : i32
    %add3A_46 = vector.broadcast %add3A_45 : i32 to vector<32x4096xi32>
    %add3A_47 = arith.addi %add3A_36, %add3A_46 : vector<32x4096xi32>
    %add3A_48 = arith.constant -514511544 : i32
    %add3A_49 = vector.broadcast %add3A_48 : i32 to vector<32x4096xi32>
    %add3A_50 = arith.addi %xor3A_44, %add3A_49 : vector<32x4096xi32>
    %add3A_51 = arith.constant 1 : i32
    %add3A_52 = vector.broadcast %add3A_51 : i32 to vector<32x4096xi32>
    %add3A_53 = arith.addi %add3A_50, %add3A_52 : vector<32x4096xi32>
    %add3A_54 = arith.addi %add3A_47, %add3A_53 : vector<32x4096xi32>
    %shift_left3A_55 = arith.constant 17 : i32
    %shift_left3A_56 = vector.broadcast %shift_left3A_55 : i32 to vector<32x4096xi32>
    %shift_left3A_57 = arith.shli %add3A_53, %shift_left3A_56 : vector<32x4096xi32>
    %shift_right_logical3A_58 = arith.constant 15 : i32
    %shift_right_logical3A_59 = vector.broadcast %shift_right_logical3A_58 : i32 to vector<32x4096xi32>
    %shift_right_logical3A_60 = arith.shrui %add3A_53, %shift_right_logical3A_59 : vector<32x4096xi32>
    %or3A_61 = arith.ori %shift_left3A_57, %shift_right_logical3A_60 : vector<32x4096xi32>
    %xor3A_62 = arith.xori %or3A_61, %add3A_54 : vector<32x4096xi32>
    %add3A_63 = arith.addi %add3A_54, %xor3A_62 : vector<32x4096xi32>
    %shift_left3A_64 = arith.constant 29 : i32
    %shift_left3A_65 = vector.broadcast %shift_left3A_64 : i32 to vector<32x4096xi32>
    %shift_left3A_66 = arith.shli %xor3A_62, %shift_left3A_65 : vector<32x4096xi32>
    %shift_right_logical3A_67 = arith.constant 3 : i32
    %shift_right_logical3A_68 = vector.broadcast %shift_right_logical3A_67 : i32 to vector<32x4096xi32>
    %shift_right_logical3A_69 = arith.shrui %xor3A_62, %shift_right_logical3A_68 : vector<32x4096xi32>
    %or3A_70 = arith.ori %shift_left3A_66, %shift_right_logical3A_69 : vector<32x4096xi32>
    %xor3A_71 = arith.xori %or3A_70, %add3A_63 : vector<32x4096xi32>
    %add3A_72 = arith.addi %add3A_63, %xor3A_71 : vector<32x4096xi32>
    %shift_left3A_73 = arith.constant 16 : i32
    %shift_left3A_74 = vector.broadcast %shift_left3A_73 : i32 to vector<32x4096xi32>
    %shift_left3A_75 = arith.shli %xor3A_71, %shift_left3A_74 : vector<32x4096xi32>
    %shift_right_logical3A_76 = arith.constant 16 : i32
    %shift_right_logical3A_77 = vector.broadcast %shift_right_logical3A_76 : i32 to vector<32x4096xi32>
    %shift_right_logical3A_78 = arith.shrui %xor3A_71, %shift_right_logical3A_77 : vector<32x4096xi32>
    %or3A_79 = arith.ori %shift_left3A_75, %shift_right_logical3A_78 : vector<32x4096xi32>
    %xor3A_80 = arith.xori %or3A_79, %add3A_72 : vector<32x4096xi32>
    %add3A_81 = arith.addi %add3A_72, %xor3A_80 : vector<32x4096xi32>
    %shift_left3A_82 = arith.constant 24 : i32
    %shift_left3A_83 = vector.broadcast %shift_left3A_82 : i32 to vector<32x4096xi32>
    %shift_left3A_84 = arith.shli %xor3A_80, %shift_left3A_83 : vector<32x4096xi32>
    %shift_right_logical3A_85 = arith.constant 8 : i32
    %shift_right_logical3A_86 = vector.broadcast %shift_right_logical3A_85 : i32 to vector<32x4096xi32>
    %shift_right_logical3A_87 = arith.shrui %xor3A_80, %shift_right_logical3A_86 : vector<32x4096xi32>
    %or3A_88 = arith.ori %shift_left3A_84, %shift_right_logical3A_87 : vector<32x4096xi32>
    %xor3A_89 = arith.xori %or3A_88, %add3A_81 : vector<32x4096xi32>
    %add3A_90 = arith.constant -514511544 : i32
    %add3A_91 = vector.broadcast %add3A_90 : i32 to vector<32x4096xi32>
    %add3A_92 = arith.addi %add3A_81, %add3A_91 : vector<32x4096xi32>
    %add3A_93 = arith.constant 928981903 : i32
    %add3A_94 = vector.broadcast %add3A_93 : i32 to vector<32x4096xi32>
    %add3A_95 = arith.addi %xor3A_89, %add3A_94 : vector<32x4096xi32>
    %add3A_96 = arith.constant 2 : i32
    %add3A_97 = vector.broadcast %add3A_96 : i32 to vector<32x4096xi32>
    %add3A_98 = arith.addi %add3A_95, %add3A_97 : vector<32x4096xi32>
    %add3A_99 = arith.addi %add3A_92, %add3A_98 : vector<32x4096xi32>
    %shift_left3A_100 = arith.constant 13 : i32
    %shift_left3A_101 = vector.broadcast %shift_left3A_100 : i32 to vector<32x4096xi32>
    %shift_left3A_102 = arith.shli %add3A_98, %shift_left3A_101 : vector<32x4096xi32>
    %shift_right_logical3A_103 = arith.constant 19 : i32
    %shift_right_logical3A_104 = vector.broadcast %shift_right_logical3A_103 : i32 to vector<32x4096xi32>
    %shift_right_logical3A_105 = arith.shrui %add3A_98, %shift_right_logical3A_104 : vector<32x4096xi32>
    %or3A_106 = arith.ori %shift_left3A_102, %shift_right_logical3A_105 : vector<32x4096xi32>
    %xor3A_107 = arith.xori %or3A_106, %add3A_99 : vector<32x4096xi32>
    %add3A_108 = arith.addi %add3A_99, %xor3A_107 : vector<32x4096xi32>
    %shift_left3A_109 = arith.constant 15 : i32
    %shift_left3A_110 = vector.broadcast %shift_left3A_109 : i32 to vector<32x4096xi32>
    %shift_left3A_111 = arith.shli %xor3A_107, %shift_left3A_110 : vector<32x4096xi32>
    %shift_right_logical3A_112 = arith.constant 17 : i32
    %shift_right_logical3A_113 = vector.broadcast %shift_right_logical3A_112 : i32 to vector<32x4096xi32>
    %shift_right_logical3A_114 = arith.shrui %xor3A_107, %shift_right_logical3A_113 : vector<32x4096xi32>
    %or3A_115 = arith.ori %shift_left3A_111, %shift_right_logical3A_114 : vector<32x4096xi32>
    %xor3A_116 = arith.xori %or3A_115, %add3A_108 : vector<32x4096xi32>
    %add3A_117 = arith.addi %add3A_108, %xor3A_116 : vector<32x4096xi32>
    %shift_left3A_118 = arith.constant 26 : i32
    %shift_left3A_119 = vector.broadcast %shift_left3A_118 : i32 to vector<32x4096xi32>
    %shift_left3A_120 = arith.shli %xor3A_116, %shift_left3A_119 : vector<32x4096xi32>
    %shift_right_logical3A_121 = arith.constant 6 : i32
    %shift_right_logical3A_122 = vector.broadcast %shift_right_logical3A_121 : i32 to vector<32x4096xi32>
    %shift_right_logical3A_123 = arith.shrui %xor3A_116, %shift_right_logical3A_122 : vector<32x4096xi32>
    %or3A_124 = arith.ori %shift_left3A_120, %shift_right_logical3A_123 : vector<32x4096xi32>
    %xor3A_125 = arith.xori %or3A_124, %add3A_117 : vector<32x4096xi32>
    %add3A_126 = arith.addi %add3A_117, %xor3A_125 : vector<32x4096xi32>
    %shift_left3A_127 = arith.constant 6 : i32
    %shift_left3A_128 = vector.broadcast %shift_left3A_127 : i32 to vector<32x4096xi32>
    %shift_left3A_129 = arith.shli %xor3A_125, %shift_left3A_128 : vector<32x4096xi32>
    %shift_right_logical3A_130 = arith.constant 26 : i32
    %shift_right_logical3A_131 = vector.broadcast %shift_right_logical3A_130 : i32 to vector<32x4096xi32>
    %shift_right_logical3A_132 = arith.shrui %xor3A_125, %shift_right_logical3A_131 : vector<32x4096xi32>
    %or3A_133 = arith.ori %shift_left3A_129, %shift_right_logical3A_132 : vector<32x4096xi32>
    %xor3A_134 = arith.xori %or3A_133, %add3A_126 : vector<32x4096xi32>
    %add3A_135 = arith.constant 928981903 : i32
    %add3A_136 = vector.broadcast %add3A_135 : i32 to vector<32x4096xi32>
    %add3A_137 = arith.addi %add3A_126, %add3A_136 : vector<32x4096xi32>
    %add3A_138 = arith.constant -841280227 : i32
    %add3A_139 = vector.broadcast %add3A_138 : i32 to vector<32x4096xi32>
    %add3A_140 = arith.addi %xor3A_134, %add3A_139 : vector<32x4096xi32>
    %add3A_141 = arith.constant 3 : i32
    %add3A_142 = vector.broadcast %add3A_141 : i32 to vector<32x4096xi32>
    %add3A_143 = arith.addi %add3A_140, %add3A_142 : vector<32x4096xi32>
    %add3A_144 = arith.addi %add3A_137, %add3A_143 : vector<32x4096xi32>
    %shift_left3A_145 = arith.constant 17 : i32
    %shift_left3A_146 = vector.broadcast %shift_left3A_145 : i32 to vector<32x4096xi32>
    %shift_left3A_147 = arith.shli %add3A_143, %shift_left3A_146 : vector<32x4096xi32>
    %shift_right_logical3A_148 = arith.constant 15 : i32
    %shift_right_logical3A_149 = vector.broadcast %shift_right_logical3A_148 : i32 to vector<32x4096xi32>
    %shift_right_logical3A_150 = arith.shrui %add3A_143, %shift_right_logical3A_149 : vector<32x4096xi32>
    %or3A_151 = arith.ori %shift_left3A_147, %shift_right_logical3A_150 : vector<32x4096xi32>
    %xor3A_152 = arith.xori %or3A_151, %add3A_144 : vector<32x4096xi32>
    %add3A_153 = arith.addi %add3A_144, %xor3A_152 : vector<32x4096xi32>
    %shift_left3A_154 = arith.constant 29 : i32
    %shift_left3A_155 = vector.broadcast %shift_left3A_154 : i32 to vector<32x4096xi32>
    %shift_left3A_156 = arith.shli %xor3A_152, %shift_left3A_155 : vector<32x4096xi32>
    %shift_right_logical3A_157 = arith.constant 3 : i32
    %shift_right_logical3A_158 = vector.broadcast %shift_right_logical3A_157 : i32 to vector<32x4096xi32>
    %shift_right_logical3A_159 = arith.shrui %xor3A_152, %shift_right_logical3A_158 : vector<32x4096xi32>
    %or3A_160 = arith.ori %shift_left3A_156, %shift_right_logical3A_159 : vector<32x4096xi32>
    %xor3A_161 = arith.xori %or3A_160, %add3A_153 : vector<32x4096xi32>
    %add3A_162 = arith.addi %add3A_153, %xor3A_161 : vector<32x4096xi32>
    %shift_left3A_163 = arith.constant 16 : i32
    %shift_left3A_164 = vector.broadcast %shift_left3A_163 : i32 to vector<32x4096xi32>
    %shift_left3A_165 = arith.shli %xor3A_161, %shift_left3A_164 : vector<32x4096xi32>
    %shift_right_logical3A_166 = arith.constant 16 : i32
    %shift_right_logical3A_167 = vector.broadcast %shift_right_logical3A_166 : i32 to vector<32x4096xi32>
    %shift_right_logical3A_168 = arith.shrui %xor3A_161, %shift_right_logical3A_167 : vector<32x4096xi32>
    %or3A_169 = arith.ori %shift_left3A_165, %shift_right_logical3A_168 : vector<32x4096xi32>
    %xor3A_170 = arith.xori %or3A_169, %add3A_162 : vector<32x4096xi32>
    %add3A_171 = arith.addi %add3A_162, %xor3A_170 : vector<32x4096xi32>
    %shift_left3A_172 = arith.constant 24 : i32
    %shift_left3A_173 = vector.broadcast %shift_left3A_172 : i32 to vector<32x4096xi32>
    %shift_left3A_174 = arith.shli %xor3A_170, %shift_left3A_173 : vector<32x4096xi32>
    %shift_right_logical3A_175 = arith.constant 8 : i32
    %shift_right_logical3A_176 = vector.broadcast %shift_right_logical3A_175 : i32 to vector<32x4096xi32>
    %shift_right_logical3A_177 = arith.shrui %xor3A_170, %shift_right_logical3A_176 : vector<32x4096xi32>
    %or3A_178 = arith.ori %shift_left3A_174, %shift_right_logical3A_177 : vector<32x4096xi32>
    %xor3A_179 = arith.xori %or3A_178, %add3A_171 : vector<32x4096xi32>
    %add3A_180 = arith.constant -841280227 : i32
    %add3A_181 = vector.broadcast %add3A_180 : i32 to vector<32x4096xi32>
    %add3A_182 = arith.addi %add3A_171, %add3A_181 : vector<32x4096xi32>
    %add3A_183 = arith.constant -514511544 : i32
    %add3A_184 = vector.broadcast %add3A_183 : i32 to vector<32x4096xi32>
    %add3A_185 = arith.addi %xor3A_179, %add3A_184 : vector<32x4096xi32>
    %add3A_186 = arith.constant 4 : i32
    %add3A_187 = vector.broadcast %add3A_186 : i32 to vector<32x4096xi32>
    %add3A_188 = arith.addi %add3A_185, %add3A_187 : vector<32x4096xi32>
    %add3A_189 = arith.addi %add3A_182, %add3A_188 : vector<32x4096xi32>
    %shift_left3A_190 = arith.constant 13 : i32
    %shift_left3A_191 = vector.broadcast %shift_left3A_190 : i32 to vector<32x4096xi32>
    %shift_left3A_192 = arith.shli %add3A_188, %shift_left3A_191 : vector<32x4096xi32>
    %shift_right_logical3A_193 = arith.constant 19 : i32
    %shift_right_logical3A_194 = vector.broadcast %shift_right_logical3A_193 : i32 to vector<32x4096xi32>
    %shift_right_logical3A_195 = arith.shrui %add3A_188, %shift_right_logical3A_194 : vector<32x4096xi32>
    %or3A_196 = arith.ori %shift_left3A_192, %shift_right_logical3A_195 : vector<32x4096xi32>
    %xor3A_197 = arith.xori %or3A_196, %add3A_189 : vector<32x4096xi32>
    %add3A_198 = arith.addi %add3A_189, %xor3A_197 : vector<32x4096xi32>
    %shift_left3A_199 = arith.constant 15 : i32
    %shift_left3A_200 = vector.broadcast %shift_left3A_199 : i32 to vector<32x4096xi32>
    %shift_left3A_201 = arith.shli %xor3A_197, %shift_left3A_200 : vector<32x4096xi32>
    %shift_right_logical3A_202 = arith.constant 17 : i32
    %shift_right_logical3A_203 = vector.broadcast %shift_right_logical3A_202 : i32 to vector<32x4096xi32>
    %shift_right_logical3A_204 = arith.shrui %xor3A_197, %shift_right_logical3A_203 : vector<32x4096xi32>
    %or3A_205 = arith.ori %shift_left3A_201, %shift_right_logical3A_204 : vector<32x4096xi32>
    %xor3A_206 = arith.xori %or3A_205, %add3A_198 : vector<32x4096xi32>
    %add3A_207 = arith.addi %add3A_198, %xor3A_206 : vector<32x4096xi32>
    %shift_left3A_208 = arith.constant 26 : i32
    %shift_left3A_209 = vector.broadcast %shift_left3A_208 : i32 to vector<32x4096xi32>
    %shift_left3A_210 = arith.shli %xor3A_206, %shift_left3A_209 : vector<32x4096xi32>
    %shift_right_logical3A_211 = arith.constant 6 : i32
    %shift_right_logical3A_212 = vector.broadcast %shift_right_logical3A_211 : i32 to vector<32x4096xi32>
    %shift_right_logical3A_213 = arith.shrui %xor3A_206, %shift_right_logical3A_212 : vector<32x4096xi32>
    %or3A_214 = arith.ori %shift_left3A_210, %shift_right_logical3A_213 : vector<32x4096xi32>
    %xor3A_215 = arith.xori %or3A_214, %add3A_207 : vector<32x4096xi32>
    %add3A_216 = arith.addi %add3A_207, %xor3A_215 : vector<32x4096xi32>
    %shift_left3A_217 = arith.constant 6 : i32
    %shift_left3A_218 = vector.broadcast %shift_left3A_217 : i32 to vector<32x4096xi32>
    %shift_left3A_219 = arith.shli %xor3A_215, %shift_left3A_218 : vector<32x4096xi32>
    %shift_right_logical3A_220 = arith.constant 26 : i32
    %shift_right_logical3A_221 = vector.broadcast %shift_right_logical3A_220 : i32 to vector<32x4096xi32>
    %shift_right_logical3A_222 = arith.shrui %xor3A_215, %shift_right_logical3A_221 : vector<32x4096xi32>
    %or3A_223 = arith.ori %shift_left3A_219, %shift_right_logical3A_222 : vector<32x4096xi32>
    %xor3A_224 = arith.xori %or3A_223, %add3A_216 : vector<32x4096xi32>
    %add3A_225 = arith.constant -514511544 : i32
    %add3A_226 = vector.broadcast %add3A_225 : i32 to vector<32x4096xi32>
    %add3A_227 = arith.addi %add3A_216, %add3A_226 : vector<32x4096xi32>
    %add3A_228 = arith.constant 928981903 : i32
    %add3A_229 = vector.broadcast %add3A_228 : i32 to vector<32x4096xi32>
    %add3A_230 = arith.addi %xor3A_224, %add3A_229 : vector<32x4096xi32>
    %add3A_231 = arith.constant 5 : i32
    %add3A_232 = vector.broadcast %add3A_231 : i32 to vector<32x4096xi32>
    %add3A_233 = arith.addi %add3A_230, %add3A_232 : vector<32x4096xi32>
    %xor3A_234 = arith.xori %add3A_227, %add3A_233 : vector<32x4096xi32>
    %shift_right_logical3A_235 = arith.constant 9 : i32
    %shift_right_logical3A_236 = vector.broadcast %shift_right_logical3A_235 : i32 to vector<32x4096xi32>
    %shift_right_logical3A_237 = arith.shrui %xor3A_234, %shift_right_logical3A_236 : vector<32x4096xi32>
    %or3A_238 = arith.constant 1065353216 : i32
    %or3A_239 = vector.broadcast %or3A_238 : i32 to vector<32x4096xi32>
    %or3A_240 = arith.ori %shift_right_logical3A_237, %or3A_239 : vector<32x4096xi32>
    %bitcast_convert_type3A = tpu.bitcast %or3A_240 : vector<32x4096xi32> -> vector<32x4096xf32>
    %sub3A = arith.constant 1.000000e+00 : f32
    %sub3A_241 = vector.broadcast %sub3A : f32 to vector<32x4096xf32>
    %sub3A_242 = arith.subf %bitcast_convert_type3A, %sub3A_241 : vector<32x4096xf32>
    %max3A = arith.constant 1.17549435E-38 : f32
    %max3A_243 = vector.broadcast %max3A : f32 to vector<32x4096xf32>
    %max3A_244 = arith.maximumf %sub3A_242, %max3A_243 : vector<32x4096xf32>
    %log3A = math.log %max3A_244 : vector<32x4096xf32>
    %neg3A = arith.constant 0.000000e+00 : f32
    %neg3A_245 = vector.broadcast %neg3A : f32 to vector<32x4096xf32>
    %neg3A_246 = arith.subf %neg3A_245, %log3A : vector<32x4096xf32>
    %log3A_247 = math.log %neg3A_246 : vector<32x4096xf32>
    %neg3A_248 = arith.constant 0.000000e+00 : f32
    %neg3A_249 = vector.broadcast %neg3A_248 : f32 to vector<32x4096xf32>
    %neg3A_250 = arith.subf %neg3A_249, %log3A_247 : vector<32x4096xf32>
    %add3A_251 = arith.addf %get3A_1, %neg3A_250 : vector<32x4096xf32>
    %swap3A = arith.constant 0 : index
    %swap3A_252 = arith.constant 0 : index
    %swap3A_253 = vector.load %arg2[%swap3A, %swap3A_252] : memref<32x4096xf32, #tpu.memory_space<vmem>>, vector<32x4096xf32>
    tpu.vector_store %arg2[%swap3A, %swap3A_252], %add3A_251 {strides = array<i32>} : memref<32x4096xf32, #tpu.memory_space<vmem>>, vector<32x4096xf32>,
    return
  }
  func.func @transform_0(%arg0: i32) -> (i32, i32) {
    %c0_i32 = arith.constant 0 : i32
    %c0_i32_0 = arith.constant 0 : i32
    return %c0_i32, %arg0 : i32, i32
  }
  func.func @transform_1(%arg0: i32) -> (i32, i32) {
    %c0_i32 = arith.constant 0 : i32
    %c0_i32_0 = arith.constant 0 : i32
    return %c0_i32, %arg0 : i32, i32
  }
}

module attributes {stable_mosaic.version = 14 : i64} {
  func.func @_linearize_body(%arg0: i32, %arg1: i32, %arg2: memref<8x65536xf32, #tpu.memory_space<vmem>>, %arg3: memref<8x512x128xi32, #tpu.memory_space<vmem>>) attributes {dimension_semantics = [#tpu.dimension_semantics<arbitrary>, #tpu.dimension_semantics<arbitrary>], iteration_bounds = array<i64: 4, 16>, scalar_prefetch = 0 : i64, scratch_operands = 0 : i64, tpu.core_type = #tpu.core_type<tc>, window_params = [{transform_indices = @transform_0, window_bounds = array<i64: 8, 65536>}, {transform_indices = @transform_1, window_bounds = array<i64: 8, 512, 128>}]} {
    %get3A = arith.constant 0 : index
    %get3A_0 = arith.constant 0 : index
    %get3A_1 = vector.load %arg2[%get3A, %get3A_0] : memref<8x65536xf32, #tpu.memory_space<vmem>>, vector<8x65536xf32>
    %bitcast_convert_type3A = tpu.bitcast %get3A_1 : vector<8x65536xf32> -> vector<8x65536xi32>
    %shift_right_arithmetic3A = arith.constant 31 : i32
    %shift_right_arithmetic3A_2 = vector.broadcast %shift_right_arithmetic3A : i32 to vector<8x65536xi32>
    %shift_right_arithmetic3A_3 = arith.shrsi %bitcast_convert_type3A, %shift_right_arithmetic3A_2 : vector<8x65536xi32>
    %and3A = arith.constant 2147483647 : i32
    %and3A_4 = vector.broadcast %and3A : i32 to vector<8x65536xi32>
    %and3A_5 = arith.andi %shift_right_arithmetic3A_3, %and3A_4 : vector<8x65536xi32>
    %xor3A = arith.xori %bitcast_convert_type3A, %and3A_5 : vector<8x65536xi32>
    %xor3A_6 = arith.constant -2147483648 : i32
    %xor3A_7 = vector.broadcast %xor3A_6 : i32 to vector<8x65536xi32>
    %xor3A_8 = arith.xori %xor3A, %xor3A_7 : vector<8x65536xi32>
    %mul3A = arith.constant 65536 : i32
    %mul3A_9 = arith.muli %arg1, %mul3A : i32
    %iota3A = tpu.iota {dimensions = array<i32: 1>} : vector<8x65536xi32>
    %add3A = vector.broadcast %mul3A_9 : i32 to vector<8x65536xi32>
    %add3A_10 = arith.addi %add3A, %iota3A : vector<8x65536xi32>
    %lt3A = arith.constant 1000000 : i32
    %lt3A_11 = vector.broadcast %lt3A : i32 to vector<8x65536xi32>
    %lt3A_12 = arith.cmpi slt, %add3A_10, %lt3A_11 : vector<8x65536xi32>
    %jit3A = arith.constant 0 : i32
    %broadcast_in_dim3A = vector.broadcast %jit3A : i32 to vector<8x65536xi32>
    %select_n3A = arith.select %lt3A_12, %xor3A_8, %broadcast_in_dim3A : vector<8x65536xi1>, vector<8x65536xi32>
    %reshape3A = vector.shape_cast %select_n3A : vector<8x65536xi32> to vector<8x512x128xi32>
    %swap3A = arith.constant 0 : index
    %swap3A_13 = arith.constant 0 : index
    %swap3A_14 = arith.constant 0 : index
    %swap3A_15 = vector.load %arg3[%swap3A, %swap3A_13, %swap3A_14] : memref<8x512x128xi32, #tpu.memory_space<vmem>>, vector<8x512x128xi32>
    tpu.vector_store %arg3[%swap3A, %swap3A_13, %swap3A_14], %reshape3A {strides = array<i32>} : memref<8x512x128xi32, #tpu.memory_space<vmem>>, vector<8x512x128xi32>,
    return
  }
  func.func @transform_0(%arg0: i32, %arg1: i32) -> (i32, i32) {
    %c0_i32 = arith.constant 0 : i32
    return %arg0, %arg1 : i32, i32
  }
  func.func @transform_1(%arg0: i32, %arg1: i32) -> (i32, i32, i32) {
    %c0_i32 = arith.constant 0 : i32
    %c0_i32_0 = arith.constant 0 : i32
    return %arg0, %arg1, %c0_i32 : i32, i32, i32
  }
}

module attributes {stable_mosaic.version = 14 : i64} {
  func.func @_tc_argmax_body(%arg0: i32, %arg1: memref<32x16384xf32, #tpu.memory_space<vmem>>, %arg2: memref<32x16384xf32, #tpu.memory_space<vmem>>, %arg3: memref<32x1xf32, #tpu.memory_space<vmem>>, %arg4: memref<32x1xi32, #tpu.memory_space<vmem>>, %arg5: memref<32x1xf32, #tpu.memory_space<vmem>>, %arg6: memref<32x1xi32, #tpu.memory_space<vmem>>) attributes {dimension_semantics = [#tpu.dimension_semantics<arbitrary>], iteration_bounds = array<i64: 62>, scalar_prefetch = 0 : i64, scratch_operands = 2 : i64, tpu.core_type = #tpu.core_type<tc>, window_params = [{transform_indices = @transform_0, window_bounds = array<i64: 32, 16384>}, {transform_indices = @transform_1, window_bounds = array<i64: 32, 16384>}, {pipeline_mode = #tpu.pipeline_mode<synchronous>, transform_indices = @transform_2, window_bounds = array<i64: 32, 1>}, {pipeline_mode = #tpu.pipeline_mode<synchronous>, transform_indices = @transform_3, window_bounds = array<i64: 32, 1>}]} {
    %eq3A = arith.constant 0 : i32
    %eq3A_0 = arith.cmpi eq, %arg0, %eq3A : i32
    %convert_element_type3A = arith.extui %eq3A_0 : i1 to i32
    %cond3A = arith.constant 0 : i32
    %cond3A_1 = arith.cmpi ne, %convert_element_type3A, %cond3A : i32
    scf.if %cond3A_1 {
      %broadcast_in_dim3A_43 = arith.constant 0xFF800000 : f32
      %broadcast_in_dim3A_44 = vector.broadcast %broadcast_in_dim3A_43 : f32 to vector<32x1xf32>
      %swap3A_45 = arith.constant 0 : index
      %swap3A_46 = arith.constant 0 : index
      %swap3A_47 = vector.load %arg5[%swap3A_45, %swap3A_46] : memref<32x1xf32, #tpu.memory_space<vmem>>, vector<32x1xf32>
      tpu.vector_store %arg5[%swap3A_45, %swap3A_46], %broadcast_in_dim3A_44 {strides = array<i32>} : memref<32x1xf32, #tpu.memory_space<vmem>>, vector<32x1xf32>,
      %broadcast_in_dim3A_48 = arith.constant 1073741824 : i32
      %broadcast_in_dim3A_49 = vector.broadcast %broadcast_in_dim3A_48 : i32 to vector<32x1xi32>
      %swap3A_50 = arith.constant 0 : index
      %swap3A_51 = arith.constant 0 : index
      %swap3A_52 = vector.load %arg6[%swap3A_50, %swap3A_51] : memref<32x1xi32, #tpu.memory_space<vmem>>, vector<32x1xi32>
      tpu.vector_store %arg6[%swap3A_50, %swap3A_51], %broadcast_in_dim3A_49 {strides = array<i32>} : memref<32x1xi32, #tpu.memory_space<vmem>>, vector<32x1xi32>,
    } else {
    }
    %get3A = arith.constant 0 : index
    %get3A_2 = arith.constant 0 : index
    %get3A_3 = vector.load %arg1[%get3A, %get3A_2] : memref<32x16384xf32, #tpu.memory_space<vmem>>, vector<32x16384xf32>
    %get3A_4 = arith.constant 0 : index
    %get3A_5 = arith.constant 0 : index
    %get3A_6 = vector.load %arg2[%get3A_4, %get3A_5] : memref<32x16384xf32, #tpu.memory_space<vmem>>, vector<32x16384xf32>
    %get3A_7 = arith.constant 0 : index
    %get3A_8 = arith.constant 0 : index
    %get3A_9 = vector.load %arg3[%get3A_7, %get3A_8] : memref<32x1xf32, #tpu.memory_space<vmem>>, vector<32x1xf32>
    %mul3A = arith.constant 16384 : i32
    %mul3A_10 = arith.muli %arg0, %mul3A : i32
    %iota3A = tpu.iota {dimensions = array<i32: 1>} : vector<32x16384xi32>
    %add3A = vector.broadcast %mul3A_10 : i32 to vector<32x16384xi32>
    %add3A_11 = arith.addi %add3A, %iota3A : vector<32x16384xi32>
    %ge3A = vector.broadcast %get3A_9 : vector<32x1xf32> to vector<32x16384xf32>
    %ge3A_12 = arith.cmpf oge, %get3A_3, %ge3A : vector<32x16384xf32>
    %lt3A = arith.constant 1000000 : i32
    %lt3A_13 = vector.broadcast %lt3A : i32 to vector<32x16384xi32>
    %lt3A_14 = arith.cmpi slt, %add3A_11, %lt3A_13 : vector<32x16384xi32>
    %and3A = arith.andi %ge3A_12, %lt3A_14 : vector<32x16384xi1>
    %jit3A = arith.constant 0xFF800000 : f32
    %broadcast_in_dim3A = vector.broadcast %jit3A : f32 to vector<32x16384xf32>
    %select_n3A = arith.select %and3A, %get3A_6, %broadcast_in_dim3A : vector<32x16384xi1>, vector<32x16384xf32>
    %reduce_max3A = arith.constant dense<0xFF800000> : vector<32xf32>
    %reduce_max3A_15 = vector.multi_reduction <maximumf>, %select_n3A, %reduce_max3A [1] : vector<32x16384xf32> to vector<32xf32>
    %broadcast_in_dim3A_16 = vector.shape_cast %reduce_max3A_15 : vector<32xf32> to vector<32x1xf32>
    %eq3A_17 = vector.broadcast %broadcast_in_dim3A_16 : vector<32x1xf32> to vector<32x16384xf32>
    %eq3A_18 = arith.cmpf oeq, %select_n3A, %eq3A_17 : vector<32x16384xf32>
    %jit3A_19 = arith.constant 1073741824 : i32
    %broadcast_in_dim3A_20 = vector.broadcast %jit3A_19 : i32 to vector<32x16384xi32>
    %select_n3A_21 = arith.select %eq3A_18, %add3A_11, %broadcast_in_dim3A_20 : vector<32x16384xi1>, vector<32x16384xi32>
    %reduce_min3A = arith.constant dense<2147483647> : vector<32xi32>
    %reduce_min3A_22 = vector.multi_reduction <minsi>, %select_n3A_21, %reduce_min3A [1] : vector<32x16384xi32> to vector<32xi32>
    %broadcast_in_dim3A_23 = vector.shape_cast %reduce_min3A_22 : vector<32xi32> to vector<32x1xi32>
    %get3A_24 = arith.constant 0 : index
    %get3A_25 = arith.constant 0 : index
    %get3A_26 = vector.load %arg5[%get3A_24, %get3A_25] : memref<32x1xf32, #tpu.memory_space<vmem>>, vector<32x1xf32>
    %get3A_27 = arith.constant 0 : index
    %get3A_28 = arith.constant 0 : index
    %get3A_29 = vector.load %arg6[%get3A_27, %get3A_28] : memref<32x1xi32, #tpu.memory_space<vmem>>, vector<32x1xi32>
    %gt3A = arith.cmpf ogt, %broadcast_in_dim3A_16, %get3A_26 : vector<32x1xf32>
    %eq3A_30 = arith.cmpf oeq, %broadcast_in_dim3A_16, %get3A_26 : vector<32x1xf32>
    %max3A = arith.maximumf %get3A_26, %broadcast_in_dim3A_16 : vector<32x1xf32>
    %swap3A = arith.constant 0 : index
    %swap3A_31 = arith.constant 0 : index
    %swap3A_32 = vector.load %arg5[%swap3A, %swap3A_31] : memref<32x1xf32, #tpu.memory_space<vmem>>, vector<32x1xf32>
    tpu.vector_store %arg5[%swap3A, %swap3A_31], %max3A {strides = array<i32>} : memref<32x1xf32, #tpu.memory_space<vmem>>, vector<32x1xf32>,
    %min3A = arith.minsi %get3A_29, %broadcast_in_dim3A_23 : vector<32x1xi32>
    %select_n3A_33 = arith.select %eq3A_30, %min3A, %get3A_29 : vector<32x1xi1>, vector<32x1xi32>
    %select_n3A_34 = arith.select %gt3A, %broadcast_in_dim3A_23, %select_n3A_33 : vector<32x1xi1>, vector<32x1xi32>
    %swap3A_35 = arith.constant 0 : index
    %swap3A_36 = arith.constant 0 : index
    %swap3A_37 = vector.load %arg6[%swap3A_35, %swap3A_36] : memref<32x1xi32, #tpu.memory_space<vmem>>, vector<32x1xi32>
    tpu.vector_store %arg6[%swap3A_35, %swap3A_36], %select_n3A_34 {strides = array<i32>} : memref<32x1xi32, #tpu.memory_space<vmem>>, vector<32x1xi32>,
    %eq3A_38 = arith.constant 61 : i32
    %eq3A_39 = arith.cmpi eq, %arg0, %eq3A_38 : i32
    %convert_element_type3A_40 = arith.extui %eq3A_39 : i1 to i32
    %cond3A_41 = arith.constant 0 : i32
    %cond3A_42 = arith.cmpi ne, %convert_element_type3A_40, %cond3A_41 : i32
    scf.if %cond3A_42 {
      %get3A_43 = arith.constant 0 : index
      %get3A_44 = arith.constant 0 : index
      %get3A_45 = vector.load %arg6[%get3A_43, %get3A_44] : memref<32x1xi32, #tpu.memory_space<vmem>>, vector<32x1xi32>
      %swap3A_46 = arith.constant 0 : index
      %swap3A_47 = arith.constant 0 : index
      %swap3A_48 = vector.load %arg4[%swap3A_46, %swap3A_47] : memref<32x1xi32, #tpu.memory_space<vmem>>, vector<32x1xi32>
      tpu.vector_store %arg4[%swap3A_46, %swap3A_47], %get3A_45 {strides = array<i32>} : memref<32x1xi32, #tpu.memory_space<vmem>>, vector<32x1xi32>,
    } else {
    }
    return
  }
  func.func @transform_0(%arg0: i32) -> (i32, i32) {
    %c0_i32 = arith.constant 0 : i32
    %c0_i32_0 = arith.constant 0 : i32
    return %c0_i32, %arg0 : i32, i32
  }
  func.func @transform_1(%arg0: i32) -> (i32, i32) {
    %c0_i32 = arith.constant 0 : i32
    %c0_i32_0 = arith.constant 0 : i32
    return %c0_i32, %arg0 : i32, i32
  }
  func.func @transform_2(%arg0: i32) -> (i32, i32) {
    %c0_i32 = arith.constant 0 : i32
    %c0_i32_0 = arith.constant 0 : i32
    %c0_i32_1 = arith.constant 0 : i32
    return %c0_i32, %c0_i32_0 : i32, i32
  }
  func.func @transform_3(%arg0: i32) -> (i32, i32) {
    %c0_i32 = arith.constant 0 : i32
    %c0_i32_0 = arith.constant 0 : i32
    %c0_i32_1 = arith.constant 0 : i32
    return %c0_i32, %c0_i32_0 : i32, i32
  }
}

</mosaic_0001>

<sc_bundles>
// kernel: kernel.6.cloned.1.call-start
scs
__scs_entry_jumppad:
0x0: {  	(pc) =	sbr.rel $0x88, $3  }
0x1: {  	(tag) =	ssettag $0x0;
	lr =	simm.s32 $0x1  }
0x2: {  	[smem:$0x3FA0] =	sst lr;
	_ =	strace $0xD0000000  }
0x3: {  	_ = 	snop  }
0x4: {  	_ = 	snop  }
0x5: {  	_ = 	snop  }
0x6: {  	_ = 	snop  }
0x7: {  	_ = 	snop  }
__scs_overlays_trampoline_lowered:
0x8: {  	[smem:$0x3FAF] =	sst s0  }
0x9: {  	[smem:$0x3FB0] =	sst s1  }
0xa: {  	[smem:$0x3FB1] =	sst s2  }
0xb: {  	[smem:$0x3FB2] =	sst s3  }
0xc: {  	[smem:$0x3FB3] =	sst s4  }
0xd: {  	[smem:$0x3FB4] =	sst s5  }
0xe: {  	[smem:$0x3FB5] =	sst s6  }
0xf: {  	[smem:$0x3FB6] =	sst s7  }
0x10: {  	[smem:$0x3FB7] =	sst s8  }
0x11: {  	[smem:$0x3FB8] =	sst s9;
	s0 =	simm.s32 @!p0 $0x0  }
0x12: {  	s1 =	sld [smem:$0x3F9E];
	s0 =	simm.s32 @p0 $0x1  }
0x13: {  	[smem:$0x3FB9] =	sst s0;
	s0 =	simm.s32 @!p1 $0x0  }
0x14: {  	s2 =	sld [smem:$0x3F9D];
	s0 =	simm.s32 @p1 $0x1  }
0x15: {  	[smem:$0x3FBA] =	sst s0;
	s0 =	simm.s32 @!p2 $0x0  }
0x16: {  	s3 =	sld [smem:$0x3FDB];
	s0 =	simm.s32 @p2 $0x1  }
0x17: {  	s4 =	simm.s32 $0x1BF5;
	[smem:$0x3FBC] =	sst s0  }
0x18: {  	s0 =	sld [smem:$0x3F9F];
	_ =	swait.ge [sflag:s4], $0x0  }
0x19: {  	s7 =	sld [smem:$0x3FA0]  }
0x1a: {  	s8 =	sadd.s32 $0xFFFFE003, lr  }
0x1b: {  	s9 =	sadd.s32 $0xFFFFFEF7, lr;
	s5 =	simm.s32 $0xFFFFFFFF;
	p2 =	slt.u32 s8, $0xFFFFF086  }
0x1c: {  	p1 =	slt.u32 s9, $0xF7A;
	s5 =	simm.s32 @!p2 $0x0  }
0x1d: {  	s5 =	simm.s32 @p1 $0x1;
	p0 =	seq.s32 s7, s2  }
0x1e: {  	s7 =	smul.u32 @!p0 $0xF7A, s2;
	p2 =	seq.s32 @!p0 s5, $0x0  }
0x1f: {  	s9 =	smul.u32 $0xF7A, s1;
	s8 =	simm.s32 @!p0 $0x1BF5;
	p2 =	por !p2, p0  }
0x20: {  	[sflag:s8] =	ssyncset.s32 @!p0 $0xFFFFF086;
	s6 =	sadd.s32 @!p0 s3, s7;
	s7 =	simm.s32 @!p0 $0x108  }
0x21: {  	s3 =	sadd.s32 s3, s9;
	s6 =	sadd.s32 @!p0 $0x88, s6;
	s7 =	simm.s32 @p2 $0x1082  }
0x22: {  	[simem:s7], [sflag:s8] =	dma.local @!p0 [hbm:s6], $0xF7A  }
0x23: {  	s9 =	sor.u32 $0xD0000000, s2;
	s6 =	simm.s32 $0x108;
	_ =	swait.ge @!p0 [sflag:s8], $0x0  }
0x24: {  	s3 =	sadd.s32 $0x88, s3;
	s6 =	simm.s32 @!p1 $0x1082;
	[sflag:s4] =	ssyncset.s32 $0xFFFFF086  }
0x25: {  	[simem:s6], [sflag:s4] =	dma.local [hbm:s3], $0xF7A  }
0x26: {  	[smem:$0x3FA0] =	sst s1;
	(tag) =	ssettag s2;
	_ =	strace s9  }
0x27: {  	s1 =	sld [smem:$0x3FB0]  }
0x28: {  	s2 =	sld [smem:$0x3FB1]  }
0x29: {  	s4 =	sld [smem:$0x3FB3]  }
0x2a: {  	p0 =	seq.s32 s5, $0x0;
	s5 =	sld [smem:$0x3FB4]  }
0x2b: {  	s6 =	sld [smem:$0x3FB5]  }
0x2c: {  	s7 =	sld [smem:$0x3FB6]  }
0x2d: {  	s3 =	simm.s32 $0x108;
	s8 =	sld [smem:$0x3FB7]  }
0x2e: {  	s3 =	simm.s32 @!p0 $0x1082;
	s9 =	sld [smem:$0x3FB8]  }
0x2f: {  	lr =	sadd.s32 s0, s3;
	s0 =	sld [smem:$0x3FAF]  }
0x30: {  	s3 =	sld [smem:$0x3FB2]  }
0x31: {  	[smem:$0x3FBB] =	sst s10  }
0x32: {  	s10 =	sld [smem:$0x3FB9];
	_ =	sdelay $0x3  }
0x33: {  	p0 =	seq.s32 s10, $0x1;
	s10 =	sld [smem:$0x3FBB];
	_ =	sdelay $0x3  }
0x34: {  	[smem:$0x3FBB] =	sst s10  }
0x35: {  	s10 =	sld [smem:$0x3FBA];
	_ =	sdelay $0x3  }
0x36: {  	p1 =	seq.s32 s10, $0x1;
	s10 =	sld [smem:$0x3FBB];
	_ =	sdelay $0x3  }
0x37: {  	[smem:$0x3FBB] =	sst s10  }
0x38: {  	s10 =	sld [smem:$0x3FBC]  }
0x39: {  	_ = 	snop;
	(pc) =	sbr.ind lr, $3  }
0x3a: {  	_ = 	snop  }
0x3b: {  	_ = 	snop  }
0x3c: {  	p2 =	seq.s32 s10, $0x1;
	s10 =	sld [smem:$0x3FBB]  }
0x3d: {  	_ =	shalt  }
0x3e: {  	_ =	shalt  }
0x3f: {  	_ =	shalt  }
0x40: {  	_ =	shalt  }
0x41: {  	_ =	shalt  }
0x42: {  	_ =	shalt  }
0x43: {  	_ =	shalt  }
0x44: {  	_ =	shalt  }
0x45: {  	_ =	shalt  }
0x46: {  	_ =	shalt  }
0x47: {  	_ =	shalt  }
0x48: {  	_ =	shalt  }
0x49: {  	_ =	shalt  }
0x4a: {  	_ =	shalt  }
0x4b: {  	_ =	shalt  }
0x4c: {  	_ =	shalt  }
0x4d: {  	_ =	shalt  }
0x4e: {  	_ =	shalt  }
0x4f: {  	_ =	shalt  }
0x50: {  	_ =	shalt  }
0x51: {  	_ =	shalt  }
0x52: {  	_ =	shalt  }
0x53: {  	_ =	shalt  }
0x54: {  	_ =	shalt  }
0x55: {  	_ =	shalt  }
0x56: {  	_ =	shalt  }
0x57: {  	_ =	shalt  }
0x58: {  	_ =	shalt  }
0x59: {  	_ =	shalt  }
0x5a: {  	_ =	shalt  }
0x5b: {  	_ =	shalt  }
0x5c: {  	_ =	shalt  }
0x5d: {  	_ =	shalt  }
0x5e: {  	_ =	shalt  }
0x5f: {  	_ =	shalt  }
0x60: {  	_ =	shalt  }
0x61: {  	_ =	shalt  }
0x62: {  	_ =	shalt  }
0x63: {  	_ =	shalt  }
0x64: {  	_ =	shalt  }
0x65: {  	_ =	shalt  }
0x66: {  	_ =	shalt  }
0x67: {  	_ =	shalt  }
0x68: {  	_ =	shalt  }
0x69: {  	_ =	shalt  }
0x6a: {  	_ =	shalt  }
0x6b: {  	_ =	shalt  }
0x6c: {  	_ =	shalt  }
0x6d: {  	_ =	shalt  }
0x6e: {  	_ =	shalt  }
0x6f: {  	_ =	shalt  }
0x70: {  	_ =	shalt  }
0x71: {  	_ =	shalt  }
0x72: {  	_ =	shalt  }
0x73: {  	_ =	shalt  }
0x74: {  	_ =	shalt  }
0x75: {  	_ =	shalt  }
0x76: {  	_ =	shalt  }
0x77: {  	_ =	shalt  }
0x78: {  	_ =	shalt  }
0x79: {  	_ =	shalt  }
0x7a: {  	_ =	shalt  }
0x7b: {  	_ =	shalt  }
0x7c: {  	_ =	shalt  }
0x7d: {  	_ =	shalt  }
0x7e: {  	_ =	shalt  }
0x7f: {  	_ =	shalt  }
0x80: {  	_ =	shalt  }
0x81: {  	_ =	shalt  }
0x82: {  	_ =	shalt  }
0x83: {  	_ =	shalt  }
0x84: {  	_ =	shalt  }
0x85: {  	_ =	shalt  }
0x86: {  	_ =	shalt  }
0x87: {  	_ =	shalt  }
.Lfunc_end0:
.L_simem_size_0:
called_computation_lowered:
.L_overlay_start_0:
0x88: {  	s2 =	sld [smem:$0x3FD9]  }
0x89: {  	s3 =	sld [smem:$0x3FFE];
	_ =	sdelay $0x1  }
0x8a: {  	s1 =	srdreg.scid  }
0x8b: {  	s0 =	sand.u32 $0x1, s1  }
0x8c: {  	s16 =	sshll.u32 s0, $0xA;
	s2 =	sadd.s32 s3, s2  }
0x8d: {  	s2 =	sadd.s32 s2, s16  }
0x8e: {  	[smem:$0x3FC7] =	sst s2  }
0x8f: {  	_ = 	snop  }
0x90: {  	(tm) =	ssettm $0x1  }
0x91: {  	s17 =	sld [smem:$0x3FFB];
	_ =	sdelay $0x3  }
0x92: {  	_ =	strace s17  }
0x93: {  	s2 =	sld [smem:$0x3FFC];
	_ =	sdelay $0x3  }
0x94: {  	_ =	strace s2  }
0x95: {  	s2 =	sld [smem:$0x3FFD];
	_ =	sdelay $0x3  }
0x96: {  	_ =	strace s2  }
0x97: {  	_ =	strace $0x8FFFFFFF  }
0x98: {  	s18 =	sld [smem:$0x3FDB];
	_ =	sdelay $0x1  }
0x99: {  	s19 =	simm.s32 $_scs_section_size  }
0x9a: {  	s4 =	simm.s32 $_size__tile_overlayer_lowered;
	s5 =	simm.s32 $_tile_overlayer_lowered  }
0x9b: {  	s22 =	simm.s32 $0x1BFF;
	s21 =	sshll.u32 s5, $0x1;
	s2 =	sadd.s32 s19, s18  }
0x9c: {  	s6 =	simm.s32 $0x0;
	s20 =	sshll.u32 s4, $0x1;
	s4 =	sadd.s32 s21, s2  }
0x9d: {  	[timem:s6], [sflag:s22] =	dma.local [hbm:s4], s20  }
0x9e: {  	_ =	swait.ge [sflag:s22], s20  }
0x9f: {  	s3 =	ssub.s32 $0x0, s20;
	[sflag:s22] =	ssyncset.done $0x0  }
0xa0: {  	[sflag:s22] =	ssyncadd.s32 s3;
	_ =	sdelay $0x1  }
0xa1: {  	s23 =	simm.s32 $0x1B8B  }
0xa2: {  	_ =	swait.ge [sflag:s23], $0x1  }
0xa3: {  	[sflag:s23] =	ssyncset.done $0x0  }
0xa4: {  	s25 =	simm.s32 $0x1B8E;
	s24 =	sld [smem:$0x3FFE];
	[sflag:s23] =	ssyncadd.s32 $0xFFFFFFFF  }
0xa5: {  	s26 =	simm.s32 $execute0_lowered;
	[smem:$0x3FD2] =	sst s25  }
0xa6: {  	s4 =	sshll.u32 s26, $0x1;
	_ =	strace $0x80000046;
	[dreg:$0x1] =	wrdreg $0xFFFFFFFF  }
0xa7: {  	s28 =	simm.s32 $_size_execute0_lowered;
	s2 =	sadd.s32 s2, s4;
	[dreg:$0x0] =	wrdreg $0x0  }
0xa8: {  	s4 =	sshll.u32 s28, $0x1;
	[dreg:$0x2] =	wrdreg s2  }
0xa9: {  	[dreg:$0x3] =	wrdreg s4  }
0xaa: {  	[dreg:$0x4] =	wrdreg $0xC0  }
0xab: {  	_ =	task [dreg:s6], $0x5FFFF  }
0xac: {  	[dreg:$0x1] =	wrdreg $0xFFFFFFFF  }
0xad: {  	[dreg:$0x0] =	wrdreg $0x60  }
0xae: {  	[dreg:$0x2] =	wrdreg s24  }
0xaf: {  	[dreg:$0x3] =	wrdreg $0x9  }
0xb0: {  	_ =	task.clear_ibuf [dreg:s6], $0x4FFFF;
	_ =	strace $0x90000046  }
0xb1: {  	s29 =	simm.s32 $0x9;
	_ =	strace $0x80000048  }
0xb2: {  	_ =	swait.ge [sflag:s29], $0x1  }
0xb3: {  	[sflag:s29] =	ssyncadd.s32 $0xFFFFFFFF  }
0xb4: {  	_ =	strace $0x90000048  }
0xb5: {  	_ =	sfence  }
0xb6: {  	s30 =	sld [smem:$0x0];
	_ =	sdelay $0x2  }
0xb7: {  	s31 =	sshll.u32 s1, $0xD;
	s1 =	sshrl.u32 s1, $0x2  }
0xb8: {  	s3 =	sand.u32 $0x4000, s31;
	s1 =	sadd.s32 s1, s30  }
0xb9: {  	s0 =	sor.u32 s3, s0;
	s1 =	sshll.u32 s1, $0x11  }
0xba: {  	s0 =	sor.u32 s1, s0  }
0xbb: {  	s0 =	sadd.s32 $0x8F2B, s0  }
0xbc: {  	[sflag:s0] =	ssyncadd.remote.s32 $0x1  }
0xbd: {  	_ =	sfence.sel $0xFFFF  }
0xbe: {  	[dreg:$0x0] =	wrdreg $0xFFFFFFFF;
	(pc) =	sbr.abs _section_cstart, $3  }
0xbf: {  	[dreg:$0x1] =	wrdreg $0xFFFFFFFF  }
0xc0: {  	_ =	task.clear_ibuf [dreg:s6], $0x2FFFF;
	_ =	strace $0x9FFFFFFF  }
0xc1: {  	(tm) =	ssettm $0x7FFFFFFF  }
tec
execute0_lowered:
.L_overlay_start_1:
0x0: {  	(tag) =	ssettag $0x1  }
0x1: {  	s4 =	rddreg [dreg:$0x0]  }
0x2: {  	s0 =	rddreg [dreg:$0x1]  }
0x3: {  	s3 =	srdreg.scid;
	s1 =	stileid.u32;
	s2 =	simm.s32 $0x0  }
0x4: {  	s9 =	simm.s32 $0x10000;
	s10 =	simm.s32 $0x14000;
	s11 =	simm.s32 $0x1  }
0x5: {  	s12 =	simm.s32 $0x2;
	s13 =	simm.s32 $0x18000;
	s14 =	simm.s32 $0x3  }
0x6: {  	s15 =	simm.s32 $0x0;
	s5 =	sand.u32 $0x1, s3;
	s31 =	sshll.u32 s1, $0x1  }
0x7: {  	[smem:$0x7FF] =	sst s2;
	s6 =	sor.u32 s5, s31;
	s5 =	ssub.s32 $0x2, s5  }
0x8: {  	v0 =	vlaneseq.u32;
	s3 =	sadd.s32 $0x400, s4;
	s7 =	sshll.u32 s6, $0x7;
	s8 =	sshrl.u32 s5, $0x1  }
0x9: {  	v2 =	vmul.u32 $0xFFFFFFFF, v0;
	s7 =	sadd.s32 s7, s4;
	s4 =	sshll.u32 s6, $0x14;
	s6 =	sshll.u32 s6, $0x11  }
0xa: {  	_ =	strace $0x80000047;
	s8 =	ssub.s32 s5, s8;
	s5 =	sadd.s32 s3, s6  }
0xb: {  	v1 =	vimm.s32 $0x0;
	v3 =	vimm.f32 $0.0e+00;
	v2 =	vadd.s32 $0xF, v2;
	s6 =	sor.u32 $0x8000, s4;
	s7 =	sadd.s32 $0x400400, s7;
	s8 =	smax.u32 s8, $0x1  }
.LBB2_1:
0xc: {  	s16 =	simm.s32 $0x40;
	s17 =	simm.s32 $0x0  }
.LBB2_2:
0xd: {  	p0 =	sne.s32 s16, $0x3FFC0;
	[tilespmem:s17+$0x0] =	vst v1;
	s17 =	smov.u32 s16;
	s16 =	sadd.s32 $0x40, s16  }
.Ltmp0:
0xe: {  	(pc) =	sbr.rel @p0 .LBB2_2-.Ltmp0, $2  }
0xf: {  	_ =	sdelay $0x2  }
0x10: {  	s17 =	sshra.s32 s17, $0x2  }
0x11: {  	[tilespmem:s17+$0x0] =	vst v1;
	s18 =	simm.s32 $0x0  }
0x12: {  	[tilespmem:s9], [sflag:$0x1] =	stream.linear.gather [hbm4b:s5+s18], $0x4000, $0x38;
	[tilespmem:$0x18400] =	vst v63  }
.LBB2_4:
0x13: {  	s16 =	sshll.u32 s18, $0xF  }
0x14: {  	s17 =	sor.u32 s16, s4  }
0x15: {  	s17 =	sshrl.u32 s17, $0x3  }
0x16: {  	s17 =	sadd.s32 s17, s3  }
0x17: {  	s17 =	sadd.s32 $0x800, s17  }
0x18: {  	[tilespmem:s10], [sflag:$0x2] =	stream.linear.gather [hbm4b:s17+s2], $0x4000, $0x38;
	[tilespmem:$0x18400] =	vst v63  }
0x19: {  	_ =	swait.ge [sflag:s11], $0x4000  }
0x1a: {  	[sflag:s11] =	ssyncset.done $0x0  }
0x1b: {  	s30 =	simm.s32 $0x10040;
	[sflag:s11] =	ssyncadd.s32 $0xFFFFC000  }
0x1c: {  	v4 =	vld [tilespmem:s30+$0x30]  }
0x1d: {  	v5 =	vld [tilespmem:s30+$0xFFFFFFD0]  }
0x1e: {  	v6 =	vld [tilespmem:s30+$0xFFFFFFE0]  }
0x1f: {  	v7 =	vld [tilespmem:s30+$0xFFFFFFF0]  }
0x20: {  	v8 =	vld [tilespmem:s30+$0x0]  }
0x21: {  	v10 =	vshrl.u32 v4, $0x10  }
0x22: {  	v9 =	vld [tilespmem:s30+$0x10];
	v11 =	vshrl.u32 v5, $0x10;
	(xrf1) =	vunique.msk.u32 $0xffff, v10  }
0x23: {  	v12 =	vshrl.u32 v6, $0x10;
	(xrf1) =	vunique.msk.u32 $0xffff, v11  }
0x24: {  	v13 =	vshrl.u32 v7, $0x10;
	(xrf1) =	vunique.msk.u32 $0xffff, v12  }
0x25: {  	v15 =	vshrl.u32 v8, $0x10;
	v4 =	vld [tilespmem:s30+$0x20];
	(xrf1) =	vunique.msk.u32 $0xffff, v13  }
0x26: {  	v5 =	vld [tilespmem:s30+$0xFFFFFFC0];
	(xrf1) =	vunique.msk.u32 $0xffff, v15  }
0x27: {  	v16 =	vshrl.u32 v9, $0x10  }
0x28: {  	(xrf1) =	vunique.msk.u32 $0xffff, v16;
	_ =	sdelay $0x1  }
0x29: {  	v4 =	vshrl.u32 v4, $0x10  }
0x2a: {  	v5 =	vshrl.u32 v5, $0x10;
	(xrf1) =	vunique.msk.u32 $0xffff, v4  }
0x2b: {  	s31 =	simm.s32 $0x100C0;
	(xrf1) =	vunique.msk.u32 $0xffff, v5  }
0x2c: {  	v6 =	vld [tilespmem:s31+$0x30]  }
0x2d: {  	v7 =	vld [tilespmem:s31+$0xFFFFFFD0]  }
0x2e: {  	v8 =	vld [tilespmem:s31+$0xFFFFFFE0]  }
0x2f: {  	v9 =	vld [tilespmem:s31+$0xFFFFFFF0];
	_, v14, vm0 =	vpop (xrf1)  }
0x30: {  	v18 =	vld [tilespmem:s31+$0x0];
	_, v17, vm1 =	vpop (xrf1)  }
0x31: {  	v20 =	vld [tilespmem:s31+$0x10];
	v6 =	vshrl.u32 v6, $0x10;
	_, v19, vm2 =	vpop (xrf1)  }
0x32: {  	v22 =	vld [tilespmem:s31+$0x20];
	v7 =	vshrl.u32 v7, $0x10;
	(xrf1) =	vunique.msk.u32 $0xffff, v6;
	_, v21, vm3 =	vpop (xrf1)  }
0x33: {  	v24 =	vld [tilespmem:s31+$0xFFFFFFC0];
	v8 =	vshrl.u32 v8, $0x10;
	(xrf1) =	vunique.msk.u32 $0xffff, v7;
	_, v23, vm4 =	vpop (xrf1)  }
0x34: {  	v9 =	vshrl.u32 v9, $0x10;
	(xrf1) =	vunique.msk.u32 $0xffff, v8  }
0x35: {  	(xrf1) =	vunique.msk.u32 $0xffff, v9;
	_, v25, vm5 =	vpop (xrf1);
	[tilespmem:v10+s2+$0x0] =	vst.idx.add.s32.msk vm0, v14;
	v10 =	vshrl.u32 v18, $0x10  }
0x36: {  	[tilespmem:v11+s2+$0x0] =	vst.idx.add.s32.msk vm1, v17;
	v11 =	vshrl.u32 v20, $0x10;
	(xrf1) =	vunique.msk.u32 $0xffff, v10  }
0x37: {  	[tilespmem:v12+s2+$0x0] =	vst.idx.add.s32.msk vm2, v19;
	v12 =	vshrl.u32 v22, $0x10;
	(xrf1) =	vunique.msk.u32 $0xffff, v11  }
0x38: {  	v14 =	vshrl.u32 v24, $0x10;
	[tilespmem:v13+s2+$0x0] =	vst.idx.add.s32.msk vm3, v21;
	_, v13, vm0 =	vpop (xrf1);
	(xrf1) =	vunique.msk.u32 $0xffff, v12  }
0x39: {  	[tilespmem:v15+s2+$0x0] =	vst.idx.add.s32.msk vm4, v23;
	_, v15, vm1 =	vpop (xrf1);
	(xrf1) =	vunique.msk.u32 $0xffff, v14;
	_ =	sdelay $0x1  }
0x3a: {  	s19 =	simm.s32 $0x10140;
	s17 =	simm.s32 $0x8;
	[tilespmem:v16+s2+$0x0] =	vst.idx.add.s32.msk vm5, v25  }
.LBB2_5:
0x3b: {  	v16 =	vld [tilespmem:s19+$0x30];
	s17 =	sadd.s32 $0x8, s17  }
0x3c: {  	v17 =	vld [tilespmem:s19+$0xFFFFFFD0];
	p0 =	slt.u32 s17, $0x3F8  }
0x3d: {  	v18 =	vld [tilespmem:s19+$0xFFFFFFE0]  }
0x3e: {  	v19 =	vld [tilespmem:s19+$0xFFFFFFF0]  }
0x3f: {  	v20 =	vld [tilespmem:s19+$0x0];
	_, v21, vm3 =	vpop (xrf1)  }
0x40: {  	v22 =	vld [tilespmem:s19+$0x10];
	v16 =	vshrl.u32 v16, $0x10;
	_, v23, vm4 =	vpop (xrf1)  }
0x41: {  	v17 =	vshrl.u32 v17, $0x10;
	v24 =	vld [tilespmem:s19+$0x20];
	(xrf1) =	vunique.msk.u32 $0xffff, v16;
	_, v25, vm2 =	vpop (xrf1)  }
0x42: {  	v26 =	vld [tilespmem:s19+$0xFFFFFFC0];
	v18 =	vshrl.u32 v18, $0x10;
	(xrf1) =	vunique.msk.u32 $0xffff, v17;
	_, v27, vm5 =	vpop (xrf1)  }
0x43: {  	v19 =	vshrl.u32 v19, $0x10;
	(xrf1) =	vunique.msk.u32 $0xffff, v18;
	_, v28, vm6 =	vpop (xrf1);
	[tilespmem:v5+s2+$0x0] =	vst.idx.add.s32.msk vm1, v15;
	v5 =	vmov v14  }
0x44: {  	v20 =	vshrl.u32 v20, $0x10;
	(xrf1) =	vunique.msk.u32 $0xffff, v19;
	_, v29, vm7 =	vpop (xrf1);
	[tilespmem:v4+s2+$0x0] =	vst.idx.add.s32.msk vm0, v13;
	v4 =	vmov v12  }
0x45: {  	v22 =	vshrl.u32 v22, $0x10;
	(xrf1) =	vunique.msk.u32 $0xffff, v20;
	[tilespmem:v6+s2+$0x0] =	vst.idx.add.s32.msk vm3, v21;
	_, v13, vm0 =	vpop (xrf1);
	v6 =	vmov v16  }
.Ltmp1:
0x46: {  	v12 =	vshrl.u32 v24, $0x10;
	(xrf1) =	vunique.msk.u32 $0xffff, v22;
	[tilespmem:v7+s2+$0x0] =	vst.idx.add.s32.msk vm4, v23;
	_, v15, vm1 =	vpop (xrf1);
	v7 =	vmov v17;
	(pc) =	sbr.rel @p0 .LBB2_5-.Ltmp1, $4  }
0x47: {  	v14 =	vshrl.u32 v26, $0x10;
	(xrf1) =	vunique.msk.u32 $0xffff, v12;
	[tilespmem:v8+s2+$0x0] =	vst.idx.add.s32.msk vm2, v25;
	v8 =	vmov v18  }
0x48: {  	(xrf1) =	vunique.msk.u32 $0xffff, v14;
	[tilespmem:v9+s2+$0x0] =	vst.idx.add.s32.msk vm5, v27;
	v9 =	vmov v19  }
0x49: {  	[tilespmem:v10+s2+$0x0] =	vst.idx.add.s32.msk vm6, v28;
	v10 =	vmov v20  }
0x4a: {  	s19 =	sadd.s32 $0x80, s19;
	[tilespmem:v11+s2+$0x0] =	vst.idx.add.s32.msk vm7, v29;
	v11 =	vmov v22  }
0x4b: {  	_ =	sdelay $0x3  }
0x4c: {  	_, v16, vm2 =	vpop (xrf1)  }
0x4d: {  	_, v17, vm3 =	vpop (xrf1)  }
0x4e: {  	_, v18, vm4 =	vpop (xrf1)  }
0x4f: {  	_, v19, vm5 =	vpop (xrf1)  }
0x50: {  	[tilespmem:v5+s2+$0x0] =	vst.idx.add.s32.msk vm1, v15;
	_, v20, vm6 =	vpop (xrf1)  }
0x51: {  	[tilespmem:v4+s2+$0x0] =	vst.idx.add.s32.msk vm0, v13;
	_, v5, vm1 =	vpop (xrf1)  }
0x52: {  	_, v4, vm0 =	vpop (xrf1);
	[tilespmem:v6+s2+$0x0] =	vst.idx.add.s32.msk vm2, v16  }
0x53: {  	_, v6, vm2 =	vpop (xrf1);
	[tilespmem:v7+s2+$0x0] =	vst.idx.add.s32.msk vm3, v17  }
0x54: {  	[tilespmem:v8+s2+$0x0] =	vst.idx.add.s32.msk vm4, v18  }
0x55: {  	[tilespmem:v9+s2+$0x0] =	vst.idx.add.s32.msk vm5, v19  }
0x56: {  	p0 =	seq.s32 s18, $0x1F;
	[tilespmem:v10+s2+$0x0] =	vst.idx.add.s32.msk vm6, v20  }
0x57: {  	s16 =	sadd.s32 @!p0 s16, s6;
	[tilespmem:v11+s2+$0x0] =	vst.idx.add.s32.msk vm1, v5  }
0x58: {  	s16 =	sshrl.u32 @!p0 s16, $0x3;
	[tilespmem:v12+s2+$0x0] =	vst.idx.add.s32.msk vm0, v4  }
0x59: {  	s17 =	simm.s32 @!p0 $0x0;
	s19 =	simm.s32 @!p0 $0x10000;
	s16 =	sadd.s32 @!p0 s3, s16;
	[tilespmem:v14+s2+$0x0] =	vst.idx.add.s32.msk vm2, v6  }
0x5a: {  	[tilespmem:s19], [sflag:$0x1] =	stream.linear.gather @!p0 [hbm4b:s16+s17], $0x4000, $0x38;
	[tilespmem:$0x18400] =	vst v63  }
0x5b: {  	_ =	swait.ge [sflag:s12], $0x4000  }
0x5c: {  	[sflag:s12] =	ssyncset.done $0x0  }
0x5d: {  	s30 =	simm.s32 $0x14040;
	[sflag:s12] =	ssyncadd.s32 $0xFFFFC000  }
0x5e: {  	v4 =	vld [tilespmem:s30+$0x30]  }
0x5f: {  	v5 =	vld [tilespmem:s30+$0xFFFFFFD0]  }
0x60: {  	v6 =	vld [tilespmem:s30+$0xFFFFFFE0]  }
0x61: {  	v7 =	vld [tilespmem:s30+$0xFFFFFFF0]  }
0x62: {  	v8 =	vld [tilespmem:s30+$0x0]  }
0x63: {  	v10 =	vshrl.u32 v4, $0x10  }
0x64: {  	v9 =	vld [tilespmem:s30+$0x10];
	v11 =	vshrl.u32 v5, $0x10;
	(xrf1) =	vunique.msk.u32 $0xffff, v10  }
0x65: {  	v12 =	vshrl.u32 v6, $0x10;
	(xrf1) =	vunique.msk.u32 $0xffff, v11  }
0x66: {  	v13 =	vshrl.u32 v7, $0x10;
	(xrf1) =	vunique.msk.u32 $0xffff, v12  }
0x67: {  	v15 =	vshrl.u32 v8, $0x10;
	v4 =	vld [tilespmem:s30+$0x20];
	(xrf1) =	vunique.msk.u32 $0xffff, v13  }
0x68: {  	v5 =	vld [tilespmem:s30+$0xFFFFFFC0];
	(xrf1) =	vunique.msk.u32 $0xffff, v15  }
0x69: {  	v16 =	vshrl.u32 v9, $0x10  }
0x6a: {  	(xrf1) =	vunique.msk.u32 $0xffff, v16;
	_ =	sdelay $0x1  }
0x6b: {  	v4 =	vshrl.u32 v4, $0x10  }
0x6c: {  	v5 =	vshrl.u32 v5, $0x10;
	(xrf1) =	vunique.msk.u32 $0xffff, v4  }
0x6d: {  	s31 =	simm.s32 $0x140C0;
	(xrf1) =	vunique.msk.u32 $0xffff, v5  }
0x6e: {  	v6 =	vld [tilespmem:s31+$0x30]  }
0x6f: {  	v7 =	vld [tilespmem:s31+$0xFFFFFFD0]  }
0x70: {  	v8 =	vld [tilespmem:s31+$0xFFFFFFE0]  }
0x71: {  	v9 =	vld [tilespmem:s31+$0xFFFFFFF0];
	_, v14, vm0 =	vpop (xrf1)  }
0x72: {  	v61 =	vld [tilespmem:s31+$0x0];
	_, v17, vm1 =	vpop (xrf1)  }
0x73: {  	v63 =	vld [tilespmem:s31+$0x10];
	v6 =	vshrl.u32 v6, $0x10;
	_, v62, vm2 =	vpop (xrf1)  }
0x74: {  	v22 =	vld [tilespmem:s31+$0x20];
	v7 =	vshrl.u32 v7, $0x10;
	(xrf1) =	vunique.msk.u32 $0xffff, v6;
	_, v21, vm3 =	vpop (xrf1)  }
0x75: {  	v24 =	vld [tilespmem:s31+$0xFFFFFFC0];
	v8 =	vshrl.u32 v8, $0x10;
	(xrf1) =	vunique.msk.u32 $0xffff, v7;
	_, v23, vm14 =	vpop (xrf1)  }
0x76: {  	v9 =	vshrl.u32 v9, $0x10;
	(xrf1) =	vunique.msk.u32 $0xffff, v8  }
0x77: {  	(xrf1) =	vunique.msk.u32 $0xffff, v9;
	_, v25, vm15 =	vpop (xrf1);
	[tilespmem:v10+s2+$0x0] =	vst.idx.add.s32.msk vm0, v14;
	v10 =	vshrl.u32 v61, $0x10  }
0x78: {  	[tilespmem:v11+s2+$0x0] =	vst.idx.add.s32.msk vm1, v17;
	v11 =	vshrl.u32 v63, $0x10;
	(xrf1) =	vunique.msk.u32 $0xffff, v10  }
0x79: {  	[tilespmem:v12+s2+$0x0] =	vst.idx.add.s32.msk vm2, v62;
	v12 =	vshrl.u32 v22, $0x10;
	(xrf1) =	vunique.msk.u32 $0xffff, v11  }
0x7a: {  	v14 =	vshrl.u32 v24, $0x10;
	[tilespmem:v13+s2+$0x0] =	vst.idx.add.s32.msk vm3, v21;
	_, v13, vm0 =	vpop (xrf1);
	(xrf1) =	vunique.msk.u32 $0xffff, v12  }
0x7b: {  	[tilespmem:v15+s2+$0x0] =	vst.idx.add.s32.msk vm14, v23;
	_, v15, vm1 =	vpop (xrf1);
	(xrf1) =	vunique.msk.u32 $0xffff, v14;
	_ =	sdelay $0x1  }
0x7c: {  	s16 =	simm.s32 $0x8;
	s17 =	simm.s32 $0x14140;
	[tilespmem:v16+s2+$0x0] =	vst.idx.add.s32.msk vm15, v25  }
.LBB2_7:
0x7d: {  	v16 =	vld [tilespmem:s17+$0x30];
	s16 =	sadd.s32 $0x8, s16  }
0x7e: {  	v17 =	vld [tilespmem:s17+$0xFFFFFFD0];
	p0 =	slt.u32 s16, $0x3F8  }
0x7f: {  	v18 =	vld [tilespmem:s17+$0xFFFFFFE0]  }
0x80: {  	v19 =	vld [tilespmem:s17+$0xFFFFFFF0]  }
0x81: {  	v20 =	vld [tilespmem:s17+$0x0];
	_, v21, vm3 =	vpop (xrf1)  }
0x82: {  	v22 =	vld [tilespmem:s17+$0x10];
	v16 =	vshrl.u32 v16, $0x10;
	_, v23, vm4 =	vpop (xrf1)  }
0x83: {  	v17 =	vshrl.u32 v17, $0x10;
	v24 =	vld [tilespmem:s17+$0x20];
	(xrf1) =	vunique.msk.u32 $0xffff, v16;
	_, v25, vm2 =	vpop (xrf1)  }
0x84: {  	v26 =	vld [tilespmem:s17+$0xFFFFFFC0];
	v18 =	vshrl.u32 v18, $0x10;
	(xrf1) =	vunique.msk.u32 $0xffff, v17;
	_, v27, vm5 =	vpop (xrf1)  }
0x85: {  	v19 =	vshrl.u32 v19, $0x10;
	(xrf1) =	vunique.msk.u32 $0xffff, v18;
	_, v28, vm6 =	vpop (xrf1);
	[tilespmem:v5+s2+$0x0] =	vst.idx.add.s32.msk vm1, v15;
	v5 =	vmov v14  }
0x86: {  	v20 =	vshrl.u32 v20, $0x10;
	(xrf1) =	vunique.msk.u32 $0xffff, v19;
	_, v29, vm7 =	vpop (xrf1);
	[tilespmem:v4+s2+$0x0] =	vst.idx.add.s32.msk vm0, v13;
	v4 =	vmov v12  }
0x87: {  	v22 =	vshrl.u32 v22, $0x10;
	(xrf1) =	vunique.msk.u32 $0xffff, v20;
	[tilespmem:v6+s2+$0x0] =	vst.idx.add.s32.msk vm3, v21;
	_, v13, vm0 =	vpop (xrf1);
	v6 =	vmov v16  }
.Ltmp2:
0x88: {  	v12 =	vshrl.u32 v24, $0x10;
	(xrf1) =	vunique.msk.u32 $0xffff, v22;
	[tilespmem:v7+s2+$0x0] =	vst.idx.add.s32.msk vm4, v23;
	_, v15, vm1 =	vpop (xrf1);
	v7 =	vmov v17;
	(pc) =	sbr.rel @p0 .LBB2_7-.Ltmp2, $4  }
0x89: {  	v14 =	vshrl.u32 v26, $0x10;
	(xrf1) =	vunique.msk.u32 $0xffff, v12;
	[tilespmem:v8+s2+$0x0] =	vst.idx.add.s32.msk vm2, v25;
	v8 =	vmov v18  }
0x8a: {  	(xrf1) =	vunique.msk.u32 $0xffff, v14;
	[tilespmem:v9+s2+$0x0] =	vst.idx.add.s32.msk vm5, v27;
	v9 =	vmov v19  }
0x8b: {  	[tilespmem:v10+s2+$0x0] =	vst.idx.add.s32.msk vm6, v28;
	v10 =	vmov v20  }
0x8c: {  	s17 =	sadd.s32 $0x80, s17;
	[tilespmem:v11+s2+$0x0] =	vst.idx.add.s32.msk vm7, v29;
	v11 =	vmov v22  }
0x8d: {  	_ =	sdelay $0x3  }
0x8e: {  	_, v16, vm2 =	vpop (xrf1)  }
0x8f: {  	_, v17, vm3 =	vpop (xrf1)  }
0x90: {  	_, v18, vm4 =	vpop (xrf1)  }
0x91: {  	_, v19, vm5 =	vpop (xrf1)  }
0x92: {  	[tilespmem:v5+s2+$0x0] =	vst.idx.add.s32.msk vm1, v15;
	_, v20, vm6 =	vpop (xrf1)  }
0x93: {  	[tilespmem:v4+s2+$0x0] =	vst.idx.add.s32.msk vm0, v13;
	_, v5, vm1 =	vpop (xrf1)  }
0x94: {  	_, v4, vm0 =	vpop (xrf1);
	[tilespmem:v6+s2+$0x0] =	vst.idx.add.s32.msk vm2, v16  }
0x95: {  	s18 =	sadd.s32 $0x1, s18;
	_, v6, vm2 =	vpop (xrf1);
	[tilespmem:v7+s2+$0x0] =	vst.idx.add.s32.msk vm3, v17  }
0x96: {  	p0 =	sne.s32 s18, $0x20;
	[tilespmem:v8+s2+$0x0] =	vst.idx.add.s32.msk vm4, v18  }
.Ltmp3:
0x97: {  	[tilespmem:v9+s2+$0x0] =	vst.idx.add.s32.msk vm5, v19;
	(pc) =	sbr.rel @p0 .LBB2_4-.Ltmp3, $4  }
0x98: {  	[tilespmem:v10+s2+$0x0] =	vst.idx.add.s32.msk vm6, v20  }
0x99: {  	[tilespmem:v11+s2+$0x0] =	vst.idx.add.s32.msk vm1, v5  }
0x9a: {  	s17 =	simm.s32 $0x0;
	s19 =	simm.s32 $0xFFFF;
	[tilespmem:v12+s2+$0x0] =	vst.idx.add.s32.msk vm0, v4  }
0x9b: {  	s20 =	simm.s32 $0xFFF0;
	s16 =	simm.s32 $0x0;
	s21 =	simm.s32 $0x0;
	[tilespmem:v14+s2+$0x0] =	vst.idx.add.s32.msk vm2, v6  }
.LBB2_9:
0x9c: {  	v4 =	vld [tilespmem:s20+$0x0];
	_ =	sdelay $0x4  }
0x9d: {  	v4 =	vperm.xlane v4, v2;
	_ =	sdelay $0x1  }
0x9e: {  	(xrf0) =	vadd.scan.msk.s32 $0xffff, v4;
	_ =	sdelay $0x5  }
0x9f: {  	v5, _, _ =	vpop (xrf0)  }
0xa0: {  	v5 =	vadd.s32 s21, v5  }
0xa1: {  	vm0 =	vgt.s32 v5, $0x1869F  }
0xa2: {  	v7 =	vxor.u32 $0x80000000, v5;
	v6 =	vsel vm0, $0x3F800000, v3  }
0xa3: {  	v61 =	vnsel vm0, $0xC0000000, v7;
	(xrf0) =	vmax.scan.msk.f32 $0xffff, v6  }
0xa4: {  	(xrf0) =	vmin.scan.msk.u32 $0xffff, v61;
	_ =	sdelay $0x4  }
0xa5: {  	v62, _, _ =	vpop (xrf0)  }
0xa6: {  	(v2sf) =	vpush v62, $0xF;
	v63, _, _ =	vpop (xrf0)  }
0xa7: {  	(v2sf) =	vpush v63, $0xF;
	_ =	sdelay $0xd  }
0xa8: {  	s18 =	spop (v2sf)  }
0xa9: {  	s30 =	spop (v2sf)  }
0xaa: {  	vm1 =	vgt.s32 v4, $0x0;
	s21 =	sxor.u32 $0x80000000, s30  }
0xab: {  	vm0 =	vmand vm1, vm0;
	vm2 =	veq.s32 v5, s21  }
0xac: {  	vm0 =	vmand vm0, vm2  }
0xad: {  	v5 =	vnsel vm0, $0x0, v0  }
0xae: {  	v4 =	vnsel vm0, $0x0, v4;
	(xrf0) =	vadd.scan.msk.s32 $0xffff, v5  }
0xaf: {  	(xrf0) =	vadd.scan.msk.s32 $0xffff, v4;
	_ =	sdelay $0x4  }
0xb0: {  	v4, _, _ =	vpop (xrf0)  }
0xb1: {  	(xrf0) =	vmax.scan.msk.u32 $0xffff, v7;
	v5, _, _ =	vpop (xrf0);
	(v2sf) =	vpush v4, $0xF  }
0xb2: {  	(v2sf) =	vpush v5, $0xF;
	_ =	sdelay $0x4  }
0xb3: {  	v4, _, _ =	vpop (xrf0)  }
0xb4: {  	(v2sf) =	vpush v4, $0xF;
	_ =	sdelay $0x7  }
0xb5: {  	p0 =	seq.s32 s19, $0xF;
	p1 =	sgt.f32 s18, $0.0e+00;
	s22 =	spop (v2sf)  }
0xb6: {  	p2 =	sgt.f32 @!p0 s18, $0.0e+00;
	s23 =	spop (v2sf)  }
0xb7: {  	s22 =	ssub.s32 s19, s22;
	s18 =	ssub.s32 s21, s23  }
0xb8: {  	s16 =	smov.u32 @p1 s22;
	s17 =	smov.u32 @p1 s18;
	p1 =	por p0, p2  }
.Ltmp4:
0xb9: {  	_ = 	snop;
	(pc) =	sbr.rel @!p1 .LBB2_9-.Ltmp4, $3  }
0xba: {  	_ =	sdelay $0x1  }
0xbb: {  	s31 =	spop (v2sf)  }
0xbc: {  	s20 =	sadd.s32 $0xFFFFFFF0, s20;
	s19 =	sadd.s32 $0xFFFFFFF0, s19;
	s21 =	sxor.u32 $0x80000000, s31  }
0xbd: {  	s19 =	simm.s32 $0x0  }
0xbe: {  	s19 =	simm.s32 @p0 $0x0  }
0xbf: {  	p0 =	sne.s32 s19, $0x3FFC0  }
.Ltmp5:
0xc0: {  	_ = 	snop;
	(pc) =	sbr.rel @!p0 .LBB2_12-.Ltmp5, $2  }
0xc1: {  	_ =	sdelay $0x2  }
0xc2: {  	s18 =	sadd.s32 $0x40, s19;
	s19 =	sshra.s32 s19, $0x2  }
.LBB2_11:
0xc3: {  	p0 =	sne.s32 s18, $0x3FFC0;
	[tilespmem:s19+$0x0] =	vst v1;
	s19 =	smov.u32 s18;
	s18 =	sadd.s32 $0x40, s18  }
.Ltmp6:
0xc4: {  	(pc) =	sbr.rel @p0 .LBB2_11-.Ltmp6, $2  }
0xc5: {  	_ =	sdelay $0x2  }
0xc6: {  	s19 =	sshra.s32 s19, $0x2  }
.LBB2_12:
0xc7: {  	[tilespmem:s19+$0x0] =	vst v1;
	s18 =	simm.s32 $0x0  }
0xc8: {  	v4 =	vmov s16;
	[tilespmem:s9], [sflag:$0x1] =	stream.linear.gather [hbm4b:s5+s18], $0x4000, $0x38;
	[tilespmem:$0x18400] =	vst v63  }
.LBB2_13:
0xc9: {  	s19 =	sshll.u32 s18, $0xF  }
0xca: {  	s20 =	sor.u32 s19, s4  }
0xcb: {  	s20 =	sshrl.u32 s20, $0x3  }
0xcc: {  	s20 =	sadd.s32 s20, s3  }
0xcd: {  	s20 =	sadd.s32 $0x800, s20  }
0xce: {  	[tilespmem:s10], [sflag:$0x2] =	stream.linear.gather [hbm4b:s20+s2], $0x4000, $0x38;
	[tilespmem:$0x18400] =	vst v63  }
0xcf: {  	_ =	swait.ge [sflag:s11], $0x4000  }
0xd0: {  	[sflag:s11] =	ssyncset.done $0x0  }
0xd1: {  	s30 =	simm.s32 $0x10040;
	[sflag:s11] =	ssyncadd.s32 $0xFFFFC000  }
0xd2: {  	v5 =	vld [tilespmem:s30+$0xFFFFFFE0];
	_ =	sdelay $0x4  }
0xd3: {  	v7 =	vshrl.u32 v5, $0x10  }
0xd4: {  	v8 =	vld [tilespmem:s30+$0xFFFFFFF0];
	v23 =	vand.u32 $0xFFFF, v5;
	vm0 =	veq.s32 v7, v4  }
0xd5: {  	v6 =	vld [tilespmem:s30+$0x0];
	(xrf1) =	vunique.msk.u32 vm0, v23;
	_ =	sdelay $0x3  }
0xd6: {  	v9 =	vld [tilespmem:s30+$0xFFFFFFD0];
	v10 =	vshrl.u32 v8, $0x10  }
0xd7: {  	v5 =	vand.u32 $0xFFFF, v6;
	v7 =	vshrl.u32 v6, $0x10;
	v6 =	vand.u32 $0xFFFF, v8;
	v8 =	vld [tilespmem:s30+$0x10]  }
0xd8: {  	vm1 =	veq.s32 v10, v4;
	v10 =	vld [tilespmem:s30+$0xFFFFFFC0]  }
0xd9: {  	v11 =	vld [tilespmem:s30+$0x30];
	vm0 =	veq.s32 v7, v4  }
0xda: {  	v12 =	vld [tilespmem:s30+$0x20];
	(xrf1) =	vunique.msk.u32 vm0, v5  }
0xdb: {  	(xrf1) =	vunique.msk.u32 vm1, v6  }
0xdc: {  	v13 =	vshrl.u32 v9, $0x10;
	v7 =	vand.u32 $0xFFFF, v9;
	v9 =	vshrl.u32 v8, $0x10  }
0xdd: {  	v17 =	vshrl.u32 v10, $0x10;
	v8 =	vand.u32 $0xFFFF, v8;
	vm0 =	veq.s32 v9, v4  }
0xde: {  	s31 =	simm.s32 $0x100C0;
	v9 =	vand.u32 $0xFFFF, v10;
	vm1 =	veq.s32 v17, v4;
	(xrf1) =	vunique.msk.u32 vm0, v8  }
0xdf: {  	v15 =	vld [tilespmem:s31+$0xFFFFFFE0];
	v14 =	vshrl.u32 v11, $0x10;
	v10 =	vshrl.u32 v12, $0x10;
	vm0 =	veq.s32 v13, v4;
	(xrf1) =	vunique.msk.u32 vm1, v9  }
0xe0: {  	v16 =	vld [tilespmem:s31+$0xFFFFFFD0];
	vm2 =	veq.s32 v14, v4;
	vm3 =	veq.s32 v10, v4;
	v10 =	vand.u32 $0xFFFF, v11;
	_, v24, vm4 =	vpop (xrf1);
	(xrf1) =	vunique.msk.u32 vm0, v7  }
0xe1: {  	v20 =	vld [tilespmem:s31+$0xFFFFFFF0];
	v13 =	vand.u32 $0xFFFF, v12;
	(xrf1) =	vunique.msk.u32 vm2, v10  }
0xe2: {  	v19 =	vld [tilespmem:s31+$0x0];
	(xrf1) =	vunique.msk.u32 vm3, v13;
	_ =	sdelay $0x1  }
0xe3: {  	v14 =	vld [tilespmem:s31+$0x30];
	v12 =	vshrl.u32 v15, $0x10  }
0xe4: {  	v18 =	vld [tilespmem:s31+$0x10];
	v11 =	vand.u32 $0xFFFF, v15;
	vm1 =	veq.s32 v12, v4  }
0xe5: {  	v22 =	vshrl.u32 v20, $0x10;
	(xrf1) =	vunique.msk.u32 vm1, v11  }
0xe6: {  	v15 =	vshrl.u32 v16, $0x10;
	v12 =	vand.u32 $0xFFFF, v16;
	v16 =	vshrl.u32 v19, $0x10  }
0xe7: {  	v21 =	vld [tilespmem:s31+$0xFFFFFFC0];
	vm0 =	veq.s32 v15, v4;
	v15 =	vand.u32 $0xFFFF, v19;
	vm2 =	veq.s32 v16, v4;
	_, v17, vm1 =	vpop (xrf1)  }
0xe8: {  	vm5 =	veq.s32 v22, v4;
	v25 =	vshrl.u32 v14, $0x10;
	v19 =	vld [tilespmem:s31+$0x20];
	v16 =	vand.u32 $0xFFFF, v20;
	(xrf1) =	vunique.msk.u32 vm2, v15;
	_, v20, vm2 =	vpop (xrf1)  }
0xe9: {  	s21 =	simm.s32 $0x10140;
	s20 =	simm.s32 $0x8;
	v22 =	vshrl.u32 v18, $0x10;
	vm3 =	veq.s32 v25, v4;
	(xrf1) =	vunique.msk.u32 vm5, v16;
	[tilespmem:v23+s2+$0x0] =	vst.idx.add.s32.msk vm4, v24  }
.LBB2_14:
0xea: {  	v23 =	vld [tilespmem:s21+$0xFFFFFFE0];
	s20 =	sadd.s32 $0x8, s20  }
0xeb: {  	v24 =	vld [tilespmem:s21+$0xFFFFFFF0];
	p0 =	slt.u32 s20, $0x3F8;
	_, v25, vm4 =	vpop (xrf1)  }
0xec: {  	v18 =	vand.u32 $0xFFFF, v18;
	vm5 =	veq.s32 v22, v4;
	v26 =	vld [tilespmem:s21+$0xFFFFFFD0];
	v31 =	vshrl.u32 v21, $0x10;
	_, v22, vm6 =	vpop (xrf1)  }
0xed: {  	v21 =	vand.u32 $0xFFFF, v21;
	v28 =	vld [tilespmem:s21+$0x0];
	vm7 =	veq.s32 v31, v4;
	v30 =	vshrl.u32 v19, $0x10;
	(xrf1) =	vunique.msk.u32 vm5, v18;
	_, v29, vm8 =	vpop (xrf1)  }
0xee: {  	vm9 =	veq.s32 v30, v4;
	(xrf1) =	vunique.msk.u32 vm7, v21;
	[tilespmem:v6+s2+$0x0] =	vst.idx.add.s32.msk vm2, v20;
	_, v20, vm5 =	vpop (xrf1);
	v6 =	vmov v16  }
0xef: {  	v16 =	vand.u32 $0xFFFF, v14;
	(xrf1) =	vunique.msk.u32 vm0, v12;
	[tilespmem:v5+s2+$0x0] =	vst.idx.add.s32.msk vm1, v17;
	_, v27, vm2 =	vpop (xrf1);
	v5 =	vmov v15  }
0xf0: {  	v30 =	vand.u32 $0xFFFF, v19;
	v14 =	vld [tilespmem:s21+$0x30];
	(xrf1) =	vunique.msk.u32 vm3, v16  }
0xf1: {  	(xrf1) =	vunique.msk.u32 vm9, v30;
	[tilespmem:v8+s2+$0x0] =	vst.idx.add.s32.msk vm4, v25;
	v8 =	vmov v18  }
0xf2: {  	v25 =	vand.u32 $0xFFFF, v23;
	[tilespmem:v9+s2+$0x0] =	vst.idx.add.s32.msk vm6, v22;
	v9 =	vmov v21  }
0xf3: {  	v15 =	vshrl.u32 v23, $0x10;
	_, v23, vm4 =	vpop (xrf1);
	[tilespmem:v7+s2+$0x0] =	vst.idx.add.s32.msk vm8, v29;
	v7 =	vmov v12  }
0xf4: {  	vm1 =	veq.s32 v15, v4;
	v21 =	vshrl.u32 v26, $0x10;
	v18 =	vld [tilespmem:s21+$0x10]  }
.Ltmp7:
0xf5: {  	v12 =	vand.u32 $0xFFFF, v26;
	vm0 =	veq.s32 v21, v4;
	(xrf1) =	vunique.msk.u32 vm1, v25;
	[tilespmem:v10+s2+$0x0] =	vst.idx.add.s32.msk vm5, v20;
	v10 =	vmovc v16;
	(pc) =	sbr.rel @p0 .LBB2_14-.Ltmp7, $4  }
0xf6: {  	v19 =	vshrl.u32 v28, $0x10;
	v16 =	vand.u32 $0xFFFF, v24;
	v22 =	vshrl.u32 v14, $0x10;
	_, v17, vm1 =	vpop (xrf1);
	[tilespmem:v13+s2+$0x0] =	vst.idx.add.s32.msk vm2, v27  }
0xf7: {  	v15 =	vand.u32 $0xFFFF, v28;
	v24 =	vshrl.u32 v24, $0x10;
	vm5 =	veq.s32 v19, v4;
	v21 =	vld [tilespmem:s21+$0xFFFFFFC0];
	_, v20, vm2 =	vpop (xrf1)  }
0xf8: {  	vm6 =	veq.s32 v24, v4;
	vm3 =	veq.s32 v22, v4;
	v13 =	vmovc v30;
	v19 =	vld [tilespmem:s21+$0x20];
	(xrf1) =	vunique.msk.u32 vm5, v15  }
0xf9: {  	s21 =	sadd.s32 $0x80, s21;
	v22 =	vshrl.u32 v18, $0x10;
	(xrf1) =	vunique.msk.u32 vm6, v16;
	[tilespmem:v11+s2+$0x0] =	vst.idx.add.s32.msk vm4, v23;
	v11 =	vmov v25  }
0xfa: {  	_ =	sdelay $0x1  }
0xfb: {  	v18 =	vand.u32 $0xFFFF, v18;
	vm4 =	veq.s32 v22, v4;
	v23 =	vshrl.u32 v21, $0x10  }
0xfc: {  	(xrf1) =	vunique.msk.u32 vm4, v18;
	v21 =	vand.u32 $0xFFFF, v21;
	vm5 =	veq.s32 v23, v4  }
0xfd: {  	v22 =	vshrl.u32 v19, $0x10;
	(xrf1) =	vunique.msk.u32 vm5, v21  }
0xfe: {  	v14 =	vand.u32 $0xFFFF, v14;
	(xrf1) =	vunique.msk.u32 vm0, v12  }
0xff: {  	v19 =	vand.u32 $0xFFFF, v19;
	vm0 =	veq.s32 v22, v4;
	(xrf1) =	vunique.msk.u32 vm3, v14  }
0x100: {  	(xrf1) =	vunique.msk.u32 vm0, v19  }
0x101: {  	_, v22, vm0 =	vpop (xrf1)  }
0x102: {  	_, v23, vm3 =	vpop (xrf1)  }
0x103: {  	_, v24, vm4 =	vpop (xrf1)  }
0x104: {  	_, v25, vm5 =	vpop (xrf1)  }
0x105: {  	_, v26, vm6 =	vpop (xrf1)  }
0x106: {  	[tilespmem:v6+s2+$0x0] =	vst.idx.add.s32.msk vm2, v20;
	_, v6, vm2 =	vpop (xrf1)  }
0x107: {  	[tilespmem:v5+s2+$0x0] =	vst.idx.add.s32.msk vm1, v17;
	_, v5, vm1 =	vpop (xrf1)  }
0x108: {  	[tilespmem:v8+s2+$0x0] =	vst.idx.add.s32.msk vm0, v22;
	_, v8, vm0 =	vpop (xrf1)  }
0x109: {  	[tilespmem:v9+s2+$0x0] =	vst.idx.add.s32.msk vm3, v23  }
0x10a: {  	[tilespmem:v7+s2+$0x0] =	vst.idx.add.s32.msk vm4, v24;
	_, v7, vm3 =	vpop (xrf1)  }
0x10b: {  	[tilespmem:v10+s2+$0x0] =	vst.idx.add.s32.msk vm5, v25;
	_, v9, vm4 =	vpop (xrf1)  }
0x10c: {  	[tilespmem:v13+s2+$0x0] =	vst.idx.add.s32.msk vm6, v26;
	_, v10, vm5 =	vpop (xrf1)  }
0x10d: {  	[tilespmem:v11+s2+$0x0] =	vst.idx.add.s32.msk vm2, v6;
	_, v6, vm2 =	vpop (xrf1)  }
0x10e: {  	[tilespmem:v16+s2+$0x0] =	vst.idx.add.s32.msk vm0, v8;
	_, v8, vm0 =	vpop (xrf1)  }
0x10f: {  	[tilespmem:v15+s2+$0x0] =	vst.idx.add.s32.msk vm1, v5  }
0x110: {  	[tilespmem:v18+s2+$0x0] =	vst.idx.add.s32.msk vm3, v7  }
0x111: {  	p0 =	seq.s32 s18, $0x1F;
	[tilespmem:v21+s2+$0x0] =	vst.idx.add.s32.msk vm4, v9  }
0x112: {  	s19 =	sadd.s32 @!p0 s19, s6;
	[tilespmem:v12+s2+$0x0] =	vst.idx.add.s32.msk vm5, v10  }
0x113: {  	s19 =	sshrl.u32 @!p0 s19, $0x3;
	[tilespmem:v14+s2+$0x0] =	vst.idx.add.s32.msk vm2, v6  }
0x114: {  	s20 =	simm.s32 @!p0 $0x0;
	s21 =	simm.s32 @!p0 $0x10000;
	s19 =	sadd.s32 @!p0 s3, s19;
	[tilespmem:v19+s2+$0x0] =	vst.idx.add.s32.msk vm0, v8  }
0x115: {  	[tilespmem:s21], [sflag:$0x1] =	stream.linear.gather @!p0 [hbm4b:s19+s20], $0x4000, $0x38;
	[tilespmem:$0x18400] =	vst v63  }
0x116: {  	_ =	swait.ge [sflag:s12], $0x4000  }
0x117: {  	[sflag:s12] =	ssyncset.done $0x0  }
0x118: {  	s30 =	simm.s32 $0x14040;
	[sflag:s12] =	ssyncadd.s32 $0xFFFFC000  }
0x119: {  	v5 =	vld [tilespmem:s30+$0xFFFFFFE0];
	_ =	sdelay $0x1  }
0x11a: {  	v8 =	vld [tilespmem:s30+$0xFFFFFFF0]  }
0x11b: {  	v6 =	vld [tilespmem:s30+$0x0];
	_ =	sdelay $0x1  }
0x11c: {  	v7 =	vshrl.u32 v5, $0x10  }
0x11d: {  	v23 =	vand.u32 $0xFFFF, v5;
	vm0 =	veq.s32 v7, v4  }
0x11e: {  	v9 =	vld [tilespmem:s30+$0xFFFFFFD0];
	v10 =	vshrl.u32 v8, $0x10;
	(xrf1) =	vunique.msk.u32 vm0, v23  }
0x11f: {  	v5 =	vand.u32 $0xFFFF, v6;
	v7 =	vshrl.u32 v6, $0x10;
	v6 =	vand.u32 $0xFFFF, v8;
	v8 =	vld [tilespmem:s30+$0x10]  }
0x120: {  	vm1 =	veq.s32 v10, v4;
	v10 =	vld [tilespmem:s30+$0xFFFFFFC0]  }
0x121: {  	v11 =	vld [tilespmem:s30+$0x30];
	vm0 =	veq.s32 v7, v4  }
0x122: {  	v12 =	vld [tilespmem:s30+$0x20];
	(xrf1) =	vunique.msk.u32 vm0, v5  }
0x123: {  	(xrf1) =	vunique.msk.u32 vm1, v6  }
0x124: {  	v13 =	vshrl.u32 v9, $0x10;
	v7 =	vand.u32 $0xFFFF, v9;
	v9 =	vshrl.u32 v8, $0x10  }
0x125: {  	v17 =	vshrl.u32 v10, $0x10;
	v8 =	vand.u32 $0xFFFF, v8;
	vm0 =	veq.s32 v9, v4  }
0x126: {  	s31 =	simm.s32 $0x140C0;
	v9 =	vand.u32 $0xFFFF, v10;
	vm1 =	veq.s32 v17, v4;
	(xrf1) =	vunique.msk.u32 vm0, v8  }
0x127: {  	v15 =	vld [tilespmem:s31+$0xFFFFFFE0];
	v14 =	vshrl.u32 v11, $0x10;
	v10 =	vshrl.u32 v12, $0x10;
	vm0 =	veq.s32 v13, v4;
	(xrf1) =	vunique.msk.u32 vm1, v9  }
0x128: {  	v16 =	vld [tilespmem:s31+$0xFFFFFFD0];
	vm2 =	veq.s32 v14, v4;
	vm3 =	veq.s32 v10, v4;
	v10 =	vand.u32 $0xFFFF, v11;
	(xrf1) =	vunique.msk.u32 vm0, v7  }
0x129: {  	v20 =	vld [tilespmem:s31+$0xFFFFFFF0];
	v13 =	vand.u32 $0xFFFF, v12;
	(xrf1) =	vunique.msk.u32 vm2, v10  }
0x12a: {  	v19 =	vld [tilespmem:s31+$0x0];
	(xrf1) =	vunique.msk.u32 vm3, v13;
	_ =	sdelay $0x1  }
0x12b: {  	v14 =	vld [tilespmem:s31+$0x30];
	v12 =	vshrl.u32 v15, $0x10;
	_, v62, vm4 =	vpop (xrf1)  }
0x12c: {  	v18 =	vld [tilespmem:s31+$0x10];
	v11 =	vand.u32 $0xFFFF, v15;
	vm1 =	veq.s32 v12, v4  }
0x12d: {  	v22 =	vshrl.u32 v20, $0x10;
	(xrf1) =	vunique.msk.u32 vm1, v11  }
0x12e: {  	v15 =	vshrl.u32 v16, $0x10;
	v12 =	vand.u32 $0xFFFF, v16;
	v16 =	vshrl.u32 v19, $0x10  }
0x12f: {  	v21 =	vld [tilespmem:s31+$0xFFFFFFC0];
	vm0 =	veq.s32 v15, v4;
	v15 =	vand.u32 $0xFFFF, v19;
	vm2 =	veq.s32 v16, v4;
	_, v17, vm1 =	vpop (xrf1)  }
0x130: {  	vm5 =	veq.s32 v22, v4;
	v63 =	vshrl.u32 v14, $0x10;
	v19 =	vld [tilespmem:s31+$0x20];
	v16 =	vand.u32 $0xFFFF, v20;
	(xrf1) =	vunique.msk.u32 vm2, v15;
	_, v20, vm2 =	vpop (xrf1)  }
0x131: {  	s19 =	simm.s32 $0x8;
	s20 =	simm.s32 $0x14140;
	v22 =	vshrl.u32 v18, $0x10;
	vm3 =	veq.s32 v63, v4;
	(xrf1) =	vunique.msk.u32 vm5, v16;
	[tilespmem:v23+s2+$0x0] =	vst.idx.add.s32.msk vm4, v62  }
.LBB2_16:
0x132: {  	v23 =	vld [tilespmem:s20+$0xFFFFFFE0];
	s19 =	sadd.s32 $0x8, s19  }
0x133: {  	v24 =	vld [tilespmem:s20+$0xFFFFFFF0];
	p0 =	slt.u32 s19, $0x3F8;
	_, v25, vm4 =	vpop (xrf1)  }
0x134: {  	v18 =	vand.u32 $0xFFFF, v18;
	vm5 =	veq.s32 v22, v4;
	v26 =	vld [tilespmem:s20+$0xFFFFFFD0];
	v31 =	vshrl.u32 v21, $0x10;
	_, v22, vm6 =	vpop (xrf1)  }
0x135: {  	v21 =	vand.u32 $0xFFFF, v21;
	v28 =	vld [tilespmem:s20+$0x0];
	vm7 =	veq.s32 v31, v4;
	v30 =	vshrl.u32 v19, $0x10;
	(xrf1) =	vunique.msk.u32 vm5, v18;
	_, v29, vm8 =	vpop (xrf1)  }
0x136: {  	vm9 =	veq.s32 v30, v4;
	(xrf1) =	vunique.msk.u32 vm7, v21;
	[tilespmem:v6+s2+$0x0] =	vst.idx.add.s32.msk vm2, v20;
	_, v20, vm5 =	vpop (xrf1);
	v6 =	vmov v16  }
0x137: {  	v16 =	vand.u32 $0xFFFF, v14;
	(xrf1) =	vunique.msk.u32 vm0, v12;
	[tilespmem:v5+s2+$0x0] =	vst.idx.add.s32.msk vm1, v17;
	_, v27, vm2 =	vpop (xrf1);
	v5 =	vmov v15  }
0x138: {  	v30 =	vand.u32 $0xFFFF, v19;
	v14 =	vld [tilespmem:s20+$0x30];
	(xrf1) =	vunique.msk.u32 vm3, v16  }
0x139: {  	(xrf1) =	vunique.msk.u32 vm9, v30;
	[tilespmem:v8+s2+$0x0] =	vst.idx.add.s32.msk vm4, v25;
	v8 =	vmov v18  }
0x13a: {  	v25 =	vand.u32 $0xFFFF, v23;
	[tilespmem:v9+s2+$0x0] =	vst.idx.add.s32.msk vm6, v22;
	v9 =	vmov v21  }
0x13b: {  	v15 =	vshrl.u32 v23, $0x10;
	_, v23, vm4 =	vpop (xrf1);
	[tilespmem:v7+s2+$0x0] =	vst.idx.add.s32.msk vm8, v29;
	v7 =	vmov v12  }
0x13c: {  	vm1 =	veq.s32 v15, v4;
	v21 =	vshrl.u32 v26, $0x10;
	v18 =	vld [tilespmem:s20+$0x10]  }
.Ltmp8:
0x13d: {  	v12 =	vand.u32 $0xFFFF, v26;
	vm0 =	veq.s32 v21, v4;
	(xrf1) =	vunique.msk.u32 vm1, v25;
	[tilespmem:v10+s2+$0x0] =	vst.idx.add.s32.msk vm5, v20;
	v10 =	vmovc v16;
	(pc) =	sbr.rel @p0 .LBB2_16-.Ltmp8, $4  }
0x13e: {  	v19 =	vshrl.u32 v28, $0x10;
	v16 =	vand.u32 $0xFFFF, v24;
	v22 =	vshrl.u32 v14, $0x10;
	_, v17, vm1 =	vpop (xrf1);
	[tilespmem:v13+s2+$0x0] =	vst.idx.add.s32.msk vm2, v27  }
0x13f: {  	v15 =	vand.u32 $0xFFFF, v28;
	v24 =	vshrl.u32 v24, $0x10;
	vm5 =	veq.s32 v19, v4;
	v21 =	vld [tilespmem:s20+$0xFFFFFFC0];
	_, v20, vm2 =	vpop (xrf1)  }
0x140: {  	vm6 =	veq.s32 v24, v4;
	vm3 =	veq.s32 v22, v4;
	v13 =	vmovc v30;
	v19 =	vld [tilespmem:s20+$0x20];
	(xrf1) =	vunique.msk.u32 vm5, v15  }
0x141: {  	s20 =	sadd.s32 $0x80, s20;
	v22 =	vshrl.u32 v18, $0x10;
	(xrf1) =	vunique.msk.u32 vm6, v16;
	[tilespmem:v11+s2+$0x0] =	vst.idx.add.s32.msk vm4, v23;
	v11 =	vmov v25  }
0x142: {  	_ =	sdelay $0x1  }
0x143: {  	v18 =	vand.u32 $0xFFFF, v18;
	vm4 =	veq.s32 v22, v4;
	v23 =	vshrl.u32 v21, $0x10  }
0x144: {  	(xrf1) =	vunique.msk.u32 vm4, v18;
	v59 =	vand.u32 $0xFFFF, v21;
	vm5 =	veq.s32 v23, v4  }
0x145: {  	(xrf1) =	vunique.msk.u32 vm5, v59  }
0x146: {  	v14 =	vand.u32 $0xFFFF, v14;
	v60 =	vshrl.u32 v19, $0x10;
	(xrf1) =	vunique.msk.u32 vm0, v12  }
0x147: {  	v61 =	vand.u32 $0xFFFF, v19;
	vm9 =	veq.s32 v60, v4;
	(xrf1) =	vunique.msk.u32 vm3, v14  }
0x148: {  	(xrf1) =	vunique.msk.u32 vm9, v61  }
0x149: {  	_, v22, vm10 =	vpop (xrf1)  }
0x14a: {  	_, v62, vm11 =	vpop (xrf1)  }
0x14b: {  	_, v24, vm12 =	vpop (xrf1)  }
0x14c: {  	_, v25, vm13 =	vpop (xrf1)  }
0x14d: {  	_, v26, vm6 =	vpop (xrf1)  }
0x14e: {  	[tilespmem:v6+s2+$0x0] =	vst.idx.add.s32.msk vm2, v20;
	_, v6, vm2 =	vpop (xrf1)  }
0x14f: {  	[tilespmem:v5+s2+$0x0] =	vst.idx.add.s32.msk vm1, v17;
	_, v5, vm1 =	vpop (xrf1)  }
0x150: {  	[tilespmem:v8+s2+$0x0] =	vst.idx.add.s32.msk vm10, v22;
	_, v8, vm0 =	vpop (xrf1)  }
0x151: {  	[tilespmem:v9+s2+$0x0] =	vst.idx.add.s32.msk vm11, v62  }
0x152: {  	[tilespmem:v7+s2+$0x0] =	vst.idx.add.s32.msk vm12, v24;
	_, v7, vm14 =	vpop (xrf1)  }
0x153: {  	[tilespmem:v10+s2+$0x0] =	vst.idx.add.s32.msk vm13, v25;
	_, v63, vm15 =	vpop (xrf1)  }
0x154: {  	[tilespmem:v13+s2+$0x0] =	vst.idx.add.s32.msk vm6, v26;
	_, v10, vm5 =	vpop (xrf1)  }
0x155: {  	[tilespmem:v11+s2+$0x0] =	vst.idx.add.s32.msk vm2, v6;
	_, v6, vm2 =	vpop (xrf1)  }
0x156: {  	s18 =	sadd.s32 $0x1, s18;
	[tilespmem:v16+s2+$0x0] =	vst.idx.add.s32.msk vm0, v8;
	_, v8, vm0 =	vpop (xrf1)  }
0x157: {  	p0 =	sne.s32 s18, $0x20;
	[tilespmem:v15+s2+$0x0] =	vst.idx.add.s32.msk vm1, v5  }
.Ltmp9:
0x158: {  	[tilespmem:v18+s2+$0x0] =	vst.idx.add.s32.msk vm14, v7;
	(pc) =	sbr.rel @p0 .LBB2_13-.Ltmp9, $4  }
0x159: {  	[tilespmem:v59+s2+$0x0] =	vst.idx.add.s32.msk vm15, v63  }
0x15a: {  	[tilespmem:v12+s2+$0x0] =	vst.idx.add.s32.msk vm5, v10  }
0x15b: {  	[tilespmem:v14+s2+$0x0] =	vst.idx.add.s32.msk vm2, v6  }
0x15c: {  	[tilespmem:v61+s2+$0x0] =	vst.idx.add.s32.msk vm0, v8  }
0x15d: {  	s18 =	ssub.s32 $0x186A0, s17;
	s17 =	simm.s32 $0x0  }
0x15e: {  	s19 =	simm.s32 $0xFFF0;
	s20 =	simm.s32 $0x0;
	v4 =	vmov s18;
	s18 =	simm.s32 $0xFFFF  }
.LBB2_19:
0x15f: {  	v5 =	vld [tilespmem:s19+$0x0];
	_ =	sdelay $0x4  }
0x160: {  	v5 =	vperm.xlane v5, v2;
	_ =	sdelay $0x1  }
0x161: {  	(xrf0) =	vadd.scan.msk.s32 $0xffff, v5;
	_ =	sdelay $0x5  }
0x162: {  	v6, _, _ =	vpop (xrf0)  }
0x163: {  	v6 =	vadd.s32 s20, v6  }
0x164: {  	vm0 =	vge.s32 v6, v4  }
0x165: {  	v8 =	vxor.u32 $0x80000000, v6;
	v7 =	vsel vm0, $0x3F800000, v3  }
0x166: {  	(xrf0) =	vmax.scan.msk.f32 $0xffff, v7;
	v7 =	vnsel vm0, $0xC0000000, v8  }
0x167: {  	(xrf0) =	vmin.scan.msk.u32 $0xffff, v7;
	_ =	sdelay $0x4  }
0x168: {  	v7, _, _ =	vpop (xrf0)  }
0x169: {  	(v2sf) =	vpush v7, $0xF;
	v7, _, _ =	vpop (xrf0)  }
0x16a: {  	(v2sf) =	vpush v7, $0xF;
	_ =	sdelay $0xd  }
0x16b: {  	s20 =	spop (v2sf)  }
0x16c: {  	s21 =	spop (v2sf)  }
0x16d: {  	s21 =	sxor.u32 $0x80000000, s21  }
0x16e: {  	vm2 =	vgt.s32 v5, $0x0;
	vm1 =	veq.s32 v6, s21  }
0x16f: {  	vm1 =	vmand vm2, vm1  }
0x170: {  	vm0 =	vmand vm0, vm1  }
0x171: {  	v5 =	vnsel vm0, $0x0, v0  }
0x172: {  	(xrf0) =	vadd.scan.msk.s32 $0xffff, v5  }
0x173: {  	(xrf0) =	vmax.scan.msk.u32 $0xffff, v8;
	_ =	sdelay $0x4  }
0x174: {  	v5, _, _ =	vpop (xrf0)  }
0x175: {  	(v2sf) =	vpush v5, $0xF;
	v5, _, _ =	vpop (xrf0)  }
0x176: {  	(v2sf) =	vpush v5, $0xF;
	_ =	sdelay $0x7  }
0x177: {  	p0 =	seq.s32 s18, $0xF  }
0x178: {  	p2 =	sgt.f32 @!p0 s20, $0.0e+00;
	_ =	sdelay $0x1  }
0x179: {  	p0 =	por p0, p2  }
.Ltmp10:
0x17a: {  	_ = 	snop;
	(pc) =	sbr.rel @!p0 .LBB2_19-.Ltmp10, $4  }
0x17b: {  	_ = 	snop  }
0x17c: {  	p1 =	sgt.f32 s20, $0.0e+00;
	s30 =	spop (v2sf)  }
0x17d: {  	s19 =	sadd.s32 $0xFFFFFFF0, s19;
	s20 =	ssub.s32 s18, s30;
	s31 =	spop (v2sf)  }
0x17e: {  	s18 =	sadd.s32 $0xFFFFFFF0, s18;
	s17 =	smov.u32 @p1 s20;
	s20 =	sxor.u32 $0x80000000, s31  }
0x17f: {  	s16 =	sshll.u32 s16, $0x10  }
0x180: {  	s16 =	sxor.u32 $0x80000000, s16  }
0x181: {  	s16 =	sor.u32 s16, s17  }
0x182: {  	v4 =	vmov s16  }
0x183: {  	v4 =	vshra.s32 v4, $0x1F  }
0x184: {  	v4 =	vand.u32 $0x7FFFFFFF, v4  }
0x185: {  	v4 =	vxor.u32 s16, v4  }
0x186: {  	[tilespmem:$0x18000] =	vst v4  }
0x187: {  	[tilespmem:$0x18010] =	vst v4  }
0x188: {  	[tilespmem:$0x18020] =	vst v4  }
0x189: {  	[tilespmem:$0x18030] =	vst v4  }
0x18a: {  	[tilespmem:$0x18040] =	vst v4  }
0x18b: {  	s15 =	sadd.s32 $0x1, s15;
	[tilespmem:$0x18050] =	vst v4  }
0x18c: {  	p0 =	sne.s32 s15, s8;
	[tilespmem:$0x18060] =	vst v4  }
.Ltmp11:
0x18d: {  	[tilespmem:$0x18070] =	vst v4;
	(pc) =	sbr.rel @p0 .LBB2_1-.Ltmp11, $4  }
0x18e: {  	[hbm4b:s7+s2] =	stream.linear.scatter [tilespmem:s13], [sflag:$0x3], $0x400, $0x38;
	[tilespmem:$0x18400] =	vst v63  }
0x18f: {  	_ =	swait.ge [sflag:s14], $0x400  }
0x190: {  	[sflag:s14] =	ssyncset.done $0x0  }
0x191: {  	[sflag:s14] =	ssyncadd.s32 $0xFFFFFC00  }
0x192: {  	_ =	sfence.sel $0x180000  }
0x193: {  	[bflag:$0x0] =	sbarrier.arrive $0xFFFF  }
0x194: {  	p0 =	sne.s32 s1, $0x0;
	_ =	strace $0x90000047  }
0x195: {  	s0 =	sadd.s32 @!p0 $0x100000, s0;
	[bflag:$0x2] =	sbarrier.arrive $0xFFFF  }
0x196: {  	[sflag:s0] =	ssyncadd.tile.s32 @!p0 $0x1;
	_ =	shalt  }
.Lfunc_end2:
_tile_overlayer_lowered:
.L_overlay_start_2:
0x197: {  	(tag) =	ssettag $0x2  }
0x198: {  	s0 =	rddreg [dreg:$0x0];
	s2 =	stileid.u32  }
0x199: {  	s1 =	rddreg [dreg:$0x1];
	p0 =	sne.s32 s2, $0x0  }
0x19a: {  	s3 =	rddreg [dreg:$0x2];
	[bflag:$0x3] =	sbarrier.arrive $0xFFFF;
	s2 =	simm.s32 @!p0 $0x1C03  }
0x19b: {  	[timem:s3], [sflag:s2] =	dma.local @!p0 [hbm:s0], s1  }
0x19c: {  	s0 =	simm.s32 @!p0 $0x3  }
0x19d: {  	_ =	swait.ge @!p0 [sflag:s0], s1  }
0x19e: {  	s1 =	ssub.s32 @!p0 $0x0, s1;
	[sflag:s0] =	ssyncset.done @!p0 $0x0  }
0x19f: {  	[sflag:s0] =	ssyncadd.s32 @!p0 s1  }
0x1a0: {  	[bflag:$0x3] =	sbarrier.arrive $0xFFFF  }
0x1a1: {  	_ =	shalt  }

</sc_bundles>
